<compile_context>
chip_gen: v7x
topology: tpu7x:2x2x1
jax: 0.10.2.dev20260603
libtpu: 0.0.44.dev20260713+nightly
codegen_flags: <defaults>
</compile_context>

<pallas_src>
import functools

import jax
import jax.numpy as jnp
from jax import lax
from jax.experimental import pallas as pl
from jax.experimental.pallas import tpu as pltpu
from jax.experimental.pallas import tpu_sc as plsc

N_NODES = 10000
N_EDGES = 320000
D = 128
DH = D // 2
DEGW = 8

N_CORES = 2
N_SUBCORES = 16
EDGES_PER_SUBCORE = N_EDGES // N_SUBCORES
CHUNK = 125
CHUNKS_PER_SUBCORE = EDGES_PER_SUBCORE // CHUNK
HALF_CHUNKS = CHUNKS_PER_SUBCORE // 2
N_PAD = 10240
ROWS_PER_SUBCORE = N_PAD // N_SUBCORES


def _sc_aggregate(ei, feat_rows, zfeat, zdeg, ones_blk):
    mesh = plsc.VectorSubcoreMesh(core_axis_name="c", subcore_axis_name="s")

    @functools.partial(
        pl.kernel,
        mesh=mesh,
        compiler_params=pltpu.CompilerParams(use_tc_tiling_on_sc=False),
        out_type=[
            jax.ShapeDtypeStruct((N_CORES, N_PAD, DH), jnp.float32),
            jax.ShapeDtypeStruct((N_CORES, N_PAD, DEGW), jnp.float32),
        ],
        scratch_types=[
            pltpu.VMEM((CHUNKS_PER_SUBCORE, CHUNK), jnp.int32),
            pltpu.VMEM((CHUNKS_PER_SUBCORE, CHUNK), jnp.int32),
            pltpu.VMEM((CHUNK, DH), jnp.float32),
            pltpu.VMEM((CHUNK, DH), jnp.float32),
            pltpu.VMEM((CHUNK, DH), jnp.float32),
            pltpu.VMEM((CHUNK, DH), jnp.float32),
            pltpu.VMEM((CHUNK, DEGW), jnp.float32),
            pltpu.VMEM_SHARED((N_PAD, DH), jnp.float32),
            pltpu.VMEM_SHARED((N_PAD, DEGW), jnp.float32),
            pltpu.SemaphoreType.DMA,
            pltpu.SemaphoreType.DMA,
            pltpu.SemaphoreType.DMA,
            pltpu.SemaphoreType.DMA,
        ],
    )
    def body(ei_hbm, feat_hbm, zf_hbm, zd_hbm, ones_hbm,
             agg_hbm, deg_hbm,
             idx_s, idx_d, rows0, rows1, rows2, rows3, ones_v,
             acc_sh, deg_sh, sem0, sem1, sem2, sem3):
        c = lax.axis_index("c")
        s = lax.axis_index("s")

        rbase = s * ROWS_PER_SUBCORE
        pltpu.sync_copy(zf_hbm, acc_sh.at[pl.ds(rbase, ROWS_PER_SUBCORE)])
        pltpu.sync_copy(zd_hbm, deg_sh.at[pl.ds(rbase, ROWS_PER_SUBCORE)])
        pltpu.sync_copy(ones_hbm, ones_v)
        cbase = s * CHUNKS_PER_SUBCORE
        pltpu.sync_copy(ei_hbm.at[0, pl.ds(cbase, CHUNKS_PER_SUBCORE)], idx_s)
        pltpu.sync_copy(ei_hbm.at[1, pl.ds(cbase, CHUNKS_PER_SUBCORE)], idx_d)

        lane = lax.iota(jnp.int32, 16)

        @pl.loop(0, CHUNKS_PER_SUBCORE)
        def _(r):
            for k in range(7):
                sl = pl.ds(k * 16, 16)
                v = idx_s[r, sl]
                idx_s[r, sl] = v + v + c
            tl = pl.ds(109, 16)
            v = idx_s[r, tl]
            idx_s[r, tl] = jnp.where(lane < 3, v, v + v + c)

        plsc.subcore_barrier()

        def fire(i, buf, sem):
            pltpu.async_copy(feat_hbm.at[idx_s.at[i]], buf, sem)

        def drain(buf, sem):
            pltpu.make_async_copy(feat_hbm.at[idx_s.at[0]], buf, sem).wait()

        def consume(i, buf):
            pltpu.sync_copy(buf, acc_sh.at[idx_d.at[i]], add=True)

            @pl.when((i // HALF_CHUNKS) == c)
            def _():
                pltpu.sync_copy(ones_v, deg_sh.at[idx_d.at[i]], add=True)

        bufs = (rows0, rows1, rows2, rows3)
        sems = (sem0, sem1, sem2, sem3)
        for j in range(3):
            fire(j, bufs[j], sems[j])

        @pl.loop(0, CHUNKS_PER_SUBCORE, step=4)
        def _(i):
            for j in range(4):
                drain(bufs[j], sems[j])
                consume(i + j, bufs[j])

                @pl.when(i + j + 3 < CHUNKS_PER_SUBCORE)
                def _():
                    fire(i + j + 3, bufs[(j + 3) % 4], sems[(j + 3) % 4])

        plsc.subcore_barrier()
        pltpu.sync_copy(acc_sh.at[pl.ds(rbase, ROWS_PER_SUBCORE)],
                        agg_hbm.at[c, pl.ds(rbase, ROWS_PER_SUBCORE)])
        pltpu.sync_copy(deg_sh.at[pl.ds(rbase, ROWS_PER_SUBCORE)],
                        deg_hbm.at[c, pl.ds(rbase, ROWS_PER_SUBCORE)])

    return body(ei, feat_rows, zfeat, zdeg, ones_blk)


N_PAIR = N_NODES // 2
PAIR_BLK = 1000


def _tc_body(p_ref, d_ref, m_ref, c_ref, o_ref):
    deg_even = d_ref[0, :, 0:1] + d_ref[1, :, 0:1]
    deg_odd = d_ref[0, :, DEGW:DEGW + 1] + d_ref[1, :, DEGW:DEGW + 1]
    res = (
        jnp.dot(p_ref[0], m_ref[0], preferred_element_type=jnp.float32)
        + jnp.dot(p_ref[1], m_ref[1], preferred_element_type=jnp.float32)
        + deg_even * c_ref[0:1, :]
        + deg_odd * c_ref[1:2, :]
    )
    o_ref[...] = res.reshape(2 * PAIR_BLK, D)


def _tc_combine(aggp, degp, mm, cc):
    grid = (N_PAIR // PAIR_BLK,)
    return pl.pallas_call(
        _tc_body,
        grid=grid,
        in_specs=[
            pl.BlockSpec((N_CORES, PAIR_BLK, D), lambda i: (0, i, 0)),
            pl.BlockSpec((N_CORES, PAIR_BLK, 2 * DEGW), lambda i: (0, i, 0)),
            pl.BlockSpec((N_CORES, D, 2 * D), lambda i: (0, 0, 0)),
            pl.BlockSpec((N_CORES, 2 * D), lambda i: (0, 0)),
        ],
        out_specs=pl.BlockSpec((2 * PAIR_BLK, D), lambda i: (i, 0)),
        out_shape=jax.ShapeDtypeStruct((N_NODES, D), jnp.float32),
    )(aggp, degp, mm, cc)


def kernel(edge_index, feature, W, b):
    ei = edge_index.astype(jnp.int32).reshape(
        2, N_SUBCORES * CHUNKS_PER_SUBCORE, CHUNK)
    feat_rows = feature.reshape(2 * N_NODES, DH)
    zfeat = jnp.zeros((ROWS_PER_SUBCORE, DH), jnp.float32)
    zdeg = jnp.zeros((ROWS_PER_SUBCORE, DEGW), jnp.float32)
    ones_blk = jnp.ones((CHUNK, DEGW), jnp.float32)
    agg, deg = _sc_aggregate(ei, feat_rows, zfeat, zdeg, ones_blk)
    aggp = agg.reshape(N_CORES, N_PAD // 2, D)
    degp = deg.reshape(N_CORES, N_PAD // 2, 2 * DEGW)
    wt = W.T
    zblk = jnp.zeros((DH, D), jnp.float32)
    m0 = jnp.concatenate(
        [jnp.concatenate([wt[:DH], zblk], axis=1),
         jnp.concatenate([zblk, wt[:DH]], axis=1)], axis=0)
    m1 = jnp.concatenate(
        [jnp.concatenate([wt[DH:], zblk], axis=1),
         jnp.concatenate([zblk, wt[DH:]], axis=1)], axis=0)
    mm = jnp.stack([m0, m1])
    zb = jnp.zeros((D,), jnp.float32)
    cc = jnp.stack([jnp.concatenate([b, zb]), jnp.concatenate([zb, b])])
    return _tc_combine(aggp, degp, mm, cc)

# --- scband reference (transcript-rebuilt; emitter-appended) ---
"""Pipeline reference for scband-gcnlayer-4037269258345 (READ-ONLY COPY).

The authoritative reference and input builder live on the scoring server;
editing this copy changes nothing except your own understanding.
"""

import jax, jax.numpy as jnp
import numpy as np

N_NODES = 10000
N_EDGES = 320000
D_IN = 128
D_OUT = 128


def setup_inputs(seed: int = 0) -> dict:
    key = jax.random.key(seed)
    k1, k2, k3, k4 = jax.random.split(key, 4)
    feature = jax.random.normal(k1, (N_NODES, D_IN), dtype=jnp.float32)
    edge_index = jax.random.randint(k2, (2, N_EDGES), 0, N_NODES, dtype=jnp.int64)
    # nn.Linear(in_features, out_features): weight [out, in], bias [out]
    bound = 1.0 / np.sqrt(D_IN)
    W = jax.random.uniform(k3, (D_OUT, D_IN), dtype=jnp.float32, minval=-bound, maxval=bound)
    b = jax.random.uniform(k4, (D_OUT,), dtype=jnp.float32, minval=-bound, maxval=bound)
    return {"edge_index": edge_index, "feature": feature, "W": W, "b": b}


def reference(edge_index, feature, W, b):
    # h = self.fc(feature)
    h = feature @ W.T + b
    # h = sageir.gspmm(block, h): sparse SpMM aggregation over edges,
    # out[dst] = sum over incoming edges of h[src]
    src = edge_index[0]
    dst = edge_index[1]
    msgs = jnp.take(h, src, axis=0)
    out = jax.ops.segment_sum(msgs, dst, num_segments=feature.shape[0])
    return out

if __name__ == "__main__":
    import jax
    _d = setup_inputs()
    print(jax.jit(kernel)(*tuple(_d.values())))

</pallas_src>

<mosaic_0001>
#map = affine_map<(d0, d1) -> (0, 0, 0)>
#map1 = affine_map<(d0, d1) -> (0, 0)>
module attributes {stable_mosaic.version = 14 : i64} {
  func.func @body(%arg0: i32, %arg1: i32, %arg2: memref<2x2560x125xi32, #tpu.memory_space<hbm>>, %arg3: memref<20000x64xf32, #tpu.memory_space<hbm>>, %arg4: memref<640x64xf32, #tpu.memory_space<hbm>>, %arg5: memref<640x8xf32, #tpu.memory_space<hbm>>, %arg6: memref<125x8xf32, #tpu.memory_space<hbm>>, %arg7: memref<2x10240x64xf32, #tpu.memory_space<hbm>>, %arg8: memref<2x10240x8xf32, #tpu.memory_space<hbm>>, %arg9: memref<160x125xi32, #tpu.memory_space<vmem>>, %arg10: memref<160x125xi32, #tpu.memory_space<vmem>>, %arg11: memref<125x64xf32, #tpu.memory_space<vmem>>, %arg12: memref<125x64xf32, #tpu.memory_space<vmem>>, %arg13: memref<125x64xf32, #tpu.memory_space<vmem>>, %arg14: memref<125x64xf32, #tpu.memory_space<vmem>>, %arg15: memref<125x8xf32, #tpu.memory_space<vmem>>, %arg16: memref<10240x64xf32, #tpu.memory_space<vmem_shared>>, %arg17: memref<10240x8xf32, #tpu.memory_space<vmem_shared>>, %arg18: memref<!tpu.dma_semaphore, #tpu.memory_space<semaphore_mem>>, %arg19: memref<!tpu.dma_semaphore, #tpu.memory_space<semaphore_mem>>, %arg20: memref<!tpu.dma_semaphore, #tpu.memory_space<semaphore_mem>>, %arg21: memref<!tpu.dma_semaphore, #tpu.memory_space<semaphore_mem>>) attributes {dimension_semantics = [#tpu.dimension_semantics<core_parallel>, #tpu.dimension_semantics<subcore_parallel>], iteration_bounds = array<i64: 2, 16>, scalar_prefetch = 0 : i64, scratch_operands = 13 : i64, tpu.core_type = #tpu.core_type<sc_vector_subcore>, window_params = [{transform_indices = #map}, {transform_indices = #map1}, {transform_indices = #map1}, {transform_indices = #map1}, {transform_indices = #map1}, {transform_indices = #map}, {transform_indices = #map}]} {
    %mul3A = arith.constant 640 : i32
    %mul3A_0 = arith.muli %arg1, %mul3A : i32
    "tpu.region"() ({
      %run_scoped3A_34 = tpu.sem_alloc : memref<!tpu.dma_semaphore, #tpu.memory_space<semaphore_mem>>
      %dma_start3A_35 = arith.constant 0 : i32
      %dma_start3A_36 = tpu.memref_slice %arg16[%mul3A_0, %dma_start3A_35] : memref<10240x64xf32, #tpu.memory_space<vmem_shared>> -> memref<640x64xf32, #tpu.memory_space<vmem_shared>>
      tpu.enqueue_dma source(%arg4 : memref<640x64xf32, #tpu.memory_space<hbm>>) target(%dma_start3A_36 : memref<640x64xf32, #tpu.memory_space<vmem_shared>>) target_semaphore(%run_scoped3A_34 : memref<!tpu.dma_semaphore, #tpu.memory_space<semaphore_mem>>)
      %dma_wait3A = arith.constant 0 : i32
      %dma_wait3A_37 = tpu.memref_slice %arg16[%mul3A_0, %dma_wait3A] : memref<10240x64xf32, #tpu.memory_space<vmem_shared>> -> memref<640x64xf32, #tpu.memory_space<vmem_shared>>
      tpu.wait_dma2 semaphore(%run_scoped3A_34 : memref<!tpu.dma_semaphore, #tpu.memory_space<semaphore_mem>>) src(%arg4 : memref<640x64xf32, #tpu.memory_space<hbm>>) dst(%dma_wait3A_37 : memref<640x64xf32, #tpu.memory_space<vmem_shared>>)
      tpu.yield
    }) : () -> ()
    "tpu.region"() ({
      %run_scoped3A_34 = tpu.sem_alloc : memref<!tpu.dma_semaphore, #tpu.memory_space<semaphore_mem>>
      %dma_start3A_35 = arith.constant 0 : i32
      %dma_start3A_36 = tpu.memref_slice %arg17[%mul3A_0, %dma_start3A_35] : memref<10240x8xf32, #tpu.memory_space<vmem_shared>> -> memref<640x8xf32, #tpu.memory_space<vmem_shared>>
      tpu.enqueue_dma source(%arg5 : memref<640x8xf32, #tpu.memory_space<hbm>>) target(%dma_start3A_36 : memref<640x8xf32, #tpu.memory_space<vmem_shared>>) target_semaphore(%run_scoped3A_34 : memref<!tpu.dma_semaphore, #tpu.memory_space<semaphore_mem>>)
      %dma_wait3A = arith.constant 0 : i32
      %dma_wait3A_37 = tpu.memref_slice %arg17[%mul3A_0, %dma_wait3A] : memref<10240x8xf32, #tpu.memory_space<vmem_shared>> -> memref<640x8xf32, #tpu.memory_space<vmem_shared>>
      tpu.wait_dma2 semaphore(%run_scoped3A_34 : memref<!tpu.dma_semaphore, #tpu.memory_space<semaphore_mem>>) src(%arg5 : memref<640x8xf32, #tpu.memory_space<hbm>>) dst(%dma_wait3A_37 : memref<640x8xf32, #tpu.memory_space<vmem_shared>>)
      tpu.yield
    }) : () -> ()
    "tpu.region"() ({
      %run_scoped3A_34 = tpu.sem_alloc : memref<!tpu.dma_semaphore, #tpu.memory_space<semaphore_mem>>
      tpu.enqueue_dma source(%arg6 : memref<125x8xf32, #tpu.memory_space<hbm>>) target(%arg15 : memref<125x8xf32, #tpu.memory_space<vmem>>) target_semaphore(%run_scoped3A_34 : memref<!tpu.dma_semaphore, #tpu.memory_space<semaphore_mem>>)
      tpu.wait_dma2 semaphore(%run_scoped3A_34 : memref<!tpu.dma_semaphore, #tpu.memory_space<semaphore_mem>>) src(%arg6 : memref<125x8xf32, #tpu.memory_space<hbm>>) dst(%arg15 : memref<125x8xf32, #tpu.memory_space<vmem>>)
      tpu.yield
    }) : () -> ()
    %mul3A_1 = arith.constant 160 : i32
    %mul3A_2 = arith.muli %arg1, %mul3A_1 : i32
    %run_scoped3A = arith.constant 0 : i32
    "tpu.region"() ({
      %run_scoped3A_34 = tpu.sem_alloc : memref<!tpu.dma_semaphore, #tpu.memory_space<semaphore_mem>>
      %dma_start3A_35 = arith.constant 0 : i32
      %dma_start3A_36 = tpu.memref_slice %arg2[%run_scoped3A, %mul3A_2, %dma_start3A_35] : memref<2x2560x125xi32, #tpu.memory_space<hbm>> -> memref<1x160x125xi32, #tpu.memory_space<hbm>>
      %dma_start3A_37 = tpu.memref_squeeze %dma_start3A_36 : memref<1x160x125xi32, #tpu.memory_space<hbm>> -> memref<160x125xi32, #tpu.memory_space<hbm>>
      %dma_start3A_38 = arith.constant 0 : i32
      %dma_start3A_39 = tpu.memref_slice %arg2[%run_scoped3A, %mul3A_2, %dma_start3A_38] : memref<2x2560x125xi32, #tpu.memory_space<hbm>> -> memref<1x160x125xi32, #tpu.memory_space<hbm>>
      %dma_start3A_40 = tpu.memref_squeeze %dma_start3A_39 : memref<1x160x125xi32, #tpu.memory_space<hbm>> -> memref<160x125xi32, #tpu.memory_space<hbm>>
      tpu.enqueue_dma source(%dma_start3A_40 : memref<160x125xi32, #tpu.memory_space<hbm>>) target(%arg9 : memref<160x125xi32, #tpu.memory_space<vmem>>) target_semaphore(%run_scoped3A_34 : memref<!tpu.dma_semaphore, #tpu.memory_space<semaphore_mem>>)
      %dma_wait3A = arith.constant 0 : i32
      %dma_wait3A_41 = tpu.memref_slice %arg2[%run_scoped3A, %mul3A_2, %dma_wait3A] : memref<2x2560x125xi32, #tpu.memory_space<hbm>> -> memref<1x160x125xi32, #tpu.memory_space<hbm>>
      %dma_wait3A_42 = tpu.memref_squeeze %dma_wait3A_41 : memref<1x160x125xi32, #tpu.memory_space<hbm>> -> memref<160x125xi32, #tpu.memory_space<hbm>>
      %dma_wait3A_43 = arith.constant 0 : i32
      %dma_wait3A_44 = tpu.memref_slice %arg2[%run_scoped3A, %mul3A_2, %dma_wait3A_43] : memref<2x2560x125xi32, #tpu.memory_space<hbm>> -> memref<1x160x125xi32, #tpu.memory_space<hbm>>
      %dma_wait3A_45 = tpu.memref_squeeze %dma_wait3A_44 : memref<1x160x125xi32, #tpu.memory_space<hbm>> -> memref<160x125xi32, #tpu.memory_space<hbm>>
      tpu.wait_dma2 semaphore(%run_scoped3A_34 : memref<!tpu.dma_semaphore, #tpu.memory_space<semaphore_mem>>) src(%dma_wait3A_45 : memref<160x125xi32, #tpu.memory_space<hbm>>) dst(%arg9 : memref<160x125xi32, #tpu.memory_space<vmem>>)
      tpu.yield
    }) : () -> ()
    %run_scoped3A_3 = arith.constant 1 : i32
    "tpu.region"() ({
      %run_scoped3A_34 = tpu.sem_alloc : memref<!tpu.dma_semaphore, #tpu.memory_space<semaphore_mem>>
      %dma_start3A_35 = arith.constant 0 : i32
      %dma_start3A_36 = tpu.memref_slice %arg2[%run_scoped3A_3, %mul3A_2, %dma_start3A_35] : memref<2x2560x125xi32, #tpu.memory_space<hbm>> -> memref<1x160x125xi32, #tpu.memory_space<hbm>>
      %dma_start3A_37 = tpu.memref_squeeze %dma_start3A_36 : memref<1x160x125xi32, #tpu.memory_space<hbm>> -> memref<160x125xi32, #tpu.memory_space<hbm>>
      %dma_start3A_38 = arith.constant 0 : i32
      %dma_start3A_39 = tpu.memref_slice %arg2[%run_scoped3A_3, %mul3A_2, %dma_start3A_38] : memref<2x2560x125xi32, #tpu.memory_space<hbm>> -> memref<1x160x125xi32, #tpu.memory_space<hbm>>
      %dma_start3A_40 = tpu.memref_squeeze %dma_start3A_39 : memref<1x160x125xi32, #tpu.memory_space<hbm>> -> memref<160x125xi32, #tpu.memory_space<hbm>>
      tpu.enqueue_dma source(%dma_start3A_40 : memref<160x125xi32, #tpu.memory_space<hbm>>) target(%arg10 : memref<160x125xi32, #tpu.memory_space<vmem>>) target_semaphore(%run_scoped3A_34 : memref<!tpu.dma_semaphore, #tpu.memory_space<semaphore_mem>>)
      %dma_wait3A = arith.constant 0 : i32
      %dma_wait3A_41 = tpu.memref_slice %arg2[%run_scoped3A_3, %mul3A_2, %dma_wait3A] : memref<2x2560x125xi32, #tpu.memory_space<hbm>> -> memref<1x160x125xi32, #tpu.memory_space<hbm>>
      %dma_wait3A_42 = tpu.memref_squeeze %dma_wait3A_41 : memref<1x160x125xi32, #tpu.memory_space<hbm>> -> memref<160x125xi32, #tpu.memory_space<hbm>>
      %dma_wait3A_43 = arith.constant 0 : i32
      %dma_wait3A_44 = tpu.memref_slice %arg2[%run_scoped3A_3, %mul3A_2, %dma_wait3A_43] : memref<2x2560x125xi32, #tpu.memory_space<hbm>> -> memref<1x160x125xi32, #tpu.memory_space<hbm>>
      %dma_wait3A_45 = tpu.memref_squeeze %dma_wait3A_44 : memref<1x160x125xi32, #tpu.memory_space<hbm>> -> memref<160x125xi32, #tpu.memory_space<hbm>>
      tpu.wait_dma2 semaphore(%run_scoped3A_34 : memref<!tpu.dma_semaphore, #tpu.memory_space<semaphore_mem>>) src(%dma_wait3A_45 : memref<160x125xi32, #tpu.memory_space<hbm>>) dst(%arg10 : memref<160x125xi32, #tpu.memory_space<vmem>>)
      tpu.yield
    }) : () -> ()
    %iota3A = tpu.iota {dimensions = array<i32: 0>} : vector<16xi32>
    %scan3A = arith.constant 0 : i32
    %scan3A_4 = arith.constant 160 : i32
    %scan3A_5 = arith.addi %scan3A, %scan3A_4 : i32
    %scan3A_6 = arith.constant 1 : i32
    scf.for %scan3A_34 = %scan3A to %scan3A_5 step %scan3A_6  : i32 {
      %mul3A_35 = arith.constant 1 : i32
      %mul3A_36 = arith.muli %scan3A_34, %mul3A_35 : i32
      %add3A = arith.constant 0 : i32
      %add3A_37 = arith.addi %add3A, %mul3A_36 : i32
      %get3A = arith.index_cast %add3A_37 : i32 to index
      %get3A_38 = arith.constant 0 : index
      %get3A_39 = tpu.vector_load %arg9[%get3A, %get3A_38] {strides = array<i32>} : memref<160x125xi32, #tpu.memory_space<vmem>>, vector<1x16xi32>,
      %get3A_40 = vector.shape_cast %get3A_39 : vector<1x16xi32> to vector<16xi32>
      %add3A_41 = arith.addi %get3A_40, %get3A_40 : vector<16xi32>
      %add3A_42 = vector.broadcast %arg0 : i32 to vector<16xi32>
      %add3A_43 = arith.addi %add3A_41, %add3A_42 : vector<16xi32>
      %swap3A = arith.index_cast %add3A_37 : i32 to index
      %swap3A_44 = arith.constant 0 : index
      %swap3A_45 = tpu.vector_load %arg9[%swap3A, %swap3A_44] {strides = array<i32>} : memref<160x125xi32, #tpu.memory_space<vmem>>, vector<1x16xi32>,
      %swap3A_46 = vector.shape_cast %swap3A_45 : vector<1x16xi32> to vector<16xi32>
      %swap3A_47 = vector.shape_cast %add3A_43 : vector<16xi32> to vector<1x16xi32>
      tpu.vector_store %arg9[%swap3A, %swap3A_44], %swap3A_47 {strides = array<i32>} : memref<160x125xi32, #tpu.memory_space<vmem>>, vector<1x16xi32>,
      %get3A_48 = arith.index_cast %add3A_37 : i32 to index
      %get3A_49 = arith.constant 16 : index
      %get3A_50 = tpu.vector_load %arg9[%get3A_48, %get3A_49] {strides = array<i32>} : memref<160x125xi32, #tpu.memory_space<vmem>>, vector<1x16xi32>,
      %get3A_51 = vector.shape_cast %get3A_50 : vector<1x16xi32> to vector<16xi32>
      %add3A_52 = arith.addi %get3A_51, %get3A_51 : vector<16xi32>
      %add3A_53 = vector.broadcast %arg0 : i32 to vector<16xi32>
      %add3A_54 = arith.addi %add3A_52, %add3A_53 : vector<16xi32>
      %swap3A_55 = arith.index_cast %add3A_37 : i32 to index
      %swap3A_56 = arith.constant 16 : index
      %swap3A_57 = tpu.vector_load %arg9[%swap3A_55, %swap3A_56] {strides = array<i32>} : memref<160x125xi32, #tpu.memory_space<vmem>>, vector<1x16xi32>,
      %swap3A_58 = vector.shape_cast %swap3A_57 : vector<1x16xi32> to vector<16xi32>
      %swap3A_59 = vector.shape_cast %add3A_54 : vector<16xi32> to vector<1x16xi32>
      tpu.vector_store %arg9[%swap3A_55, %swap3A_56], %swap3A_59 {strides = array<i32>} : memref<160x125xi32, #tpu.memory_space<vmem>>, vector<1x16xi32>,
      %get3A_60 = arith.index_cast %add3A_37 : i32 to index
      %get3A_61 = arith.constant 32 : index
      %get3A_62 = tpu.vector_load %arg9[%get3A_60, %get3A_61] {strides = array<i32>} : memref<160x125xi32, #tpu.memory_space<vmem>>, vector<1x16xi32>,
      %get3A_63 = vector.shape_cast %get3A_62 : vector<1x16xi32> to vector<16xi32>
      %add3A_64 = arith.addi %get3A_63, %get3A_63 : vector<16xi32>
      %add3A_65 = vector.broadcast %arg0 : i32 to vector<16xi32>
      %add3A_66 = arith.addi %add3A_64, %add3A_65 : vector<16xi32>
      %swap3A_67 = arith.index_cast %add3A_37 : i32 to index
      %swap3A_68 = arith.constant 32 : index
      %swap3A_69 = tpu.vector_load %arg9[%swap3A_67, %swap3A_68] {strides = array<i32>} : memref<160x125xi32, #tpu.memory_space<vmem>>, vector<1x16xi32>,
      %swap3A_70 = vector.shape_cast %swap3A_69 : vector<1x16xi32> to vector<16xi32>
      %swap3A_71 = vector.shape_cast %add3A_66 : vector<16xi32> to vector<1x16xi32>
      tpu.vector_store %arg9[%swap3A_67, %swap3A_68], %swap3A_71 {strides = array<i32>} : memref<160x125xi32, #tpu.memory_space<vmem>>, vector<1x16xi32>,
      %get3A_72 = arith.index_cast %add3A_37 : i32 to index
      %get3A_73 = arith.constant 48 : index
      %get3A_74 = tpu.vector_load %arg9[%get3A_72, %get3A_73] {strides = array<i32>} : memref<160x125xi32, #tpu.memory_space<vmem>>, vector<1x16xi32>,
      %get3A_75 = vector.shape_cast %get3A_74 : vector<1x16xi32> to vector<16xi32>
      %add3A_76 = arith.addi %get3A_75, %get3A_75 : vector<16xi32>
      %add3A_77 = vector.broadcast %arg0 : i32 to vector<16xi32>
      %add3A_78 = arith.addi %add3A_76, %add3A_77 : vector<16xi32>
      %swap3A_79 = arith.index_cast %add3A_37 : i32 to index
      %swap3A_80 = arith.constant 48 : index
      %swap3A_81 = tpu.vector_load %arg9[%swap3A_79, %swap3A_80] {strides = array<i32>} : memref<160x125xi32, #tpu.memory_space<vmem>>, vector<1x16xi32>,
      %swap3A_82 = vector.shape_cast %swap3A_81 : vector<1x16xi32> to vector<16xi32>
      %swap3A_83 = vector.shape_cast %add3A_78 : vector<16xi32> to vector<1x16xi32>
      tpu.vector_store %arg9[%swap3A_79, %swap3A_80], %swap3A_83 {strides = array<i32>} : memref<160x125xi32, #tpu.memory_space<vmem>>, vector<1x16xi32>,
      %get3A_84 = arith.index_cast %add3A_37 : i32 to index
      %get3A_85 = arith.constant 64 : index
      %get3A_86 = tpu.vector_load %arg9[%get3A_84, %get3A_85] {strides = array<i32>} : memref<160x125xi32, #tpu.memory_space<vmem>>, vector<1x16xi32>,
      %get3A_87 = vector.shape_cast %get3A_86 : vector<1x16xi32> to vector<16xi32>
      %add3A_88 = arith.addi %get3A_87, %get3A_87 : vector<16xi32>
      %add3A_89 = vector.broadcast %arg0 : i32 to vector<16xi32>
      %add3A_90 = arith.addi %add3A_88, %add3A_89 : vector<16xi32>
      %swap3A_91 = arith.index_cast %add3A_37 : i32 to index
      %swap3A_92 = arith.constant 64 : index
      %swap3A_93 = tpu.vector_load %arg9[%swap3A_91, %swap3A_92] {strides = array<i32>} : memref<160x125xi32, #tpu.memory_space<vmem>>, vector<1x16xi32>,
      %swap3A_94 = vector.shape_cast %swap3A_93 : vector<1x16xi32> to vector<16xi32>
      %swap3A_95 = vector.shape_cast %add3A_90 : vector<16xi32> to vector<1x16xi32>
      tpu.vector_store %arg9[%swap3A_91, %swap3A_92], %swap3A_95 {strides = array<i32>} : memref<160x125xi32, #tpu.memory_space<vmem>>, vector<1x16xi32>,
      %get3A_96 = arith.index_cast %add3A_37 : i32 to index
      %get3A_97 = arith.constant 80 : index
      %get3A_98 = tpu.vector_load %arg9[%get3A_96, %get3A_97] {strides = array<i32>} : memref<160x125xi32, #tpu.memory_space<vmem>>, vector<1x16xi32>,
      %get3A_99 = vector.shape_cast %get3A_98 : vector<1x16xi32> to vector<16xi32>
      %add3A_100 = arith.addi %get3A_99, %get3A_99 : vector<16xi32>
      %add3A_101 = vector.broadcast %arg0 : i32 to vector<16xi32>
      %add3A_102 = arith.addi %add3A_100, %add3A_101 : vector<16xi32>
      %swap3A_103 = arith.index_cast %add3A_37 : i32 to index
      %swap3A_104 = arith.constant 80 : index
      %swap3A_105 = tpu.vector_load %arg9[%swap3A_103, %swap3A_104] {strides = array<i32>} : memref<160x125xi32, #tpu.memory_space<vmem>>, vector<1x16xi32>,
      %swap3A_106 = vector.shape_cast %swap3A_105 : vector<1x16xi32> to vector<16xi32>
      %swap3A_107 = vector.shape_cast %add3A_102 : vector<16xi32> to vector<1x16xi32>
      tpu.vector_store %arg9[%swap3A_103, %swap3A_104], %swap3A_107 {strides = array<i32>} : memref<160x125xi32, #tpu.memory_space<vmem>>, vector<1x16xi32>,
      %get3A_108 = arith.index_cast %add3A_37 : i32 to index
      %get3A_109 = arith.constant 96 : index
      %get3A_110 = tpu.vector_load %arg9[%get3A_108, %get3A_109] {strides = array<i32>} : memref<160x125xi32, #tpu.memory_space<vmem>>, vector<1x16xi32>,
      %get3A_111 = vector.shape_cast %get3A_110 : vector<1x16xi32> to vector<16xi32>
      %add3A_112 = arith.addi %get3A_111, %get3A_111 : vector<16xi32>
      %add3A_113 = vector.broadcast %arg0 : i32 to vector<16xi32>
      %add3A_114 = arith.addi %add3A_112, %add3A_113 : vector<16xi32>
      %swap3A_115 = arith.index_cast %add3A_37 : i32 to index
      %swap3A_116 = arith.constant 96 : index
      %swap3A_117 = tpu.vector_load %arg9[%swap3A_115, %swap3A_116] {strides = array<i32>} : memref<160x125xi32, #tpu.memory_space<vmem>>, vector<1x16xi32>,
      %swap3A_118 = vector.shape_cast %swap3A_117 : vector<1x16xi32> to vector<16xi32>
      %swap3A_119 = vector.shape_cast %add3A_114 : vector<16xi32> to vector<1x16xi32>
      tpu.vector_store %arg9[%swap3A_115, %swap3A_116], %swap3A_119 {strides = array<i32>} : memref<160x125xi32, #tpu.memory_space<vmem>>, vector<1x16xi32>,
      %get3A_120 = arith.index_cast %add3A_37 : i32 to index
      %get3A_121 = arith.constant 109 : index
      %get3A_122 = tpu.vector_load %arg9[%get3A_120, %get3A_121] {strides = array<i32>} : memref<160x125xi32, #tpu.memory_space<vmem>>, vector<1x16xi32>,
      %get3A_123 = vector.shape_cast %get3A_122 : vector<1x16xi32> to vector<16xi32>
      %lt3A = arith.constant 3 : i32
      %lt3A_124 = vector.broadcast %lt3A : i32 to vector<16xi32>
      %lt3A_125 = arith.cmpi slt, %iota3A, %lt3A_124 : vector<16xi32>
      %add3A_126 = arith.addi %get3A_123, %get3A_123 : vector<16xi32>
      %add3A_127 = vector.broadcast %arg0 : i32 to vector<16xi32>
      %add3A_128 = arith.addi %add3A_126, %add3A_127 : vector<16xi32>
      %select_n3A = arith.select %lt3A_125, %get3A_123, %add3A_128 : vector<16xi1>, vector<16xi32>
      %swap3A_129 = arith.index_cast %add3A_37 : i32 to index
      %swap3A_130 = arith.constant 109 : index
      %swap3A_131 = tpu.vector_load %arg9[%swap3A_129, %swap3A_130] {strides = array<i32>} : memref<160x125xi32, #tpu.memory_space<vmem>>, vector<1x16xi32>,
      %swap3A_132 = vector.shape_cast %swap3A_131 : vector<1x16xi32> to vector<16xi32>
      %swap3A_133 = vector.shape_cast %select_n3A : vector<16xi32> to vector<1x16xi32>
      tpu.vector_store %arg9[%swap3A_129, %swap3A_130], %swap3A_133 {strides = array<i32>} : memref<160x125xi32, #tpu.memory_space<vmem>>, vector<1x16xi32>,
    }
    %scan3A_7 = arith.constant 160 : i32
    %barrier3A = arith.constant 0 : index
    tpu.barrier barrier_id(%barrier3A)
    %dma_start3A = arith.constant 0 : i32
    %dma_start3A_8 = arith.constant 0 : i32
    %dma_start3A_9 = tpu.memref_slice %arg9[%dma_start3A, %dma_start3A_8] : memref<160x125xi32, #tpu.memory_space<vmem>> -> memref<1x125xi32, #tpu.memory_space<vmem>>
    %dma_start3A_10 = tpu.memref_squeeze %dma_start3A_9 : memref<1x125xi32, #tpu.memory_space<vmem>> -> memref<125xi32, #tpu.memory_space<vmem>>
    %dma_start3A_11 = arith.constant 0 : i32
    %dma_start3A_12 = arith.constant 0 : i32
    %dma_start3A_13 = tpu.memref_slice %arg3[%dma_start3A_11, %dma_start3A_12] : memref<20000x64xf32, #tpu.memory_space<hbm>> -> memref<20000x64xf32, #tpu.memory_space<hbm>>
    tpu.enqueue_indirect_dma source(%dma_start3A_13 : memref<20000x64xf32, #tpu.memory_space<hbm>>) target(%arg11 : memref<125x64xf32, #tpu.memory_space<vmem>>) offsets(%dma_start3A_10 : memref<125xi32, #tpu.memory_space<vmem>>) semaphore(%arg18 : memref<!tpu.dma_semaphore, #tpu.memory_space<semaphore_mem>>)
    %dma_start3A_14 = arith.constant 1 : i32
    %dma_start3A_15 = arith.constant 0 : i32
    %dma_start3A_16 = tpu.memref_slice %arg9[%dma_start3A_14, %dma_start3A_15] : memref<160x125xi32, #tpu.memory_space<vmem>> -> memref<1x125xi32, #tpu.memory_space<vmem>>
    %dma_start3A_17 = tpu.memref_squeeze %dma_start3A_16 : memref<1x125xi32, #tpu.memory_space<vmem>> -> memref<125xi32, #tpu.memory_space<vmem>>
    %dma_start3A_18 = arith.constant 0 : i32
    %dma_start3A_19 = arith.constant 0 : i32
    %dma_start3A_20 = tpu.memref_slice %arg3[%dma_start3A_18, %dma_start3A_19] : memref<20000x64xf32, #tpu.memory_space<hbm>> -> memref<20000x64xf32, #tpu.memory_space<hbm>>
    tpu.enqueue_indirect_dma source(%dma_start3A_20 : memref<20000x64xf32, #tpu.memory_space<hbm>>) target(%arg12 : memref<125x64xf32, #tpu.memory_space<vmem>>) offsets(%dma_start3A_17 : memref<125xi32, #tpu.memory_space<vmem>>) semaphore(%arg19 : memref<!tpu.dma_semaphore, #tpu.memory_space<semaphore_mem>>)
    %dma_start3A_21 = arith.constant 2 : i32
    %dma_start3A_22 = arith.constant 0 : i32
    %dma_start3A_23 = tpu.memref_slice %arg9[%dma_start3A_21, %dma_start3A_22] : memref<160x125xi32, #tpu.memory_space<vmem>> -> memref<1x125xi32, #tpu.memory_space<vmem>>
    %dma_start3A_24 = tpu.memref_squeeze %dma_start3A_23 : memref<1x125xi32, #tpu.memory_space<vmem>> -> memref<125xi32, #tpu.memory_space<vmem>>
    %dma_start3A_25 = arith.constant 0 : i32
    %dma_start3A_26 = arith.constant 0 : i32
    %dma_start3A_27 = tpu.memref_slice %arg3[%dma_start3A_25, %dma_start3A_26] : memref<20000x64xf32, #tpu.memory_space<hbm>> -> memref<20000x64xf32, #tpu.memory_space<hbm>>
    tpu.enqueue_indirect_dma source(%dma_start3A_27 : memref<20000x64xf32, #tpu.memory_space<hbm>>) target(%arg13 : memref<125x64xf32, #tpu.memory_space<vmem>>) offsets(%dma_start3A_24 : memref<125xi32, #tpu.memory_space<vmem>>) semaphore(%arg20 : memref<!tpu.dma_semaphore, #tpu.memory_space<semaphore_mem>>)
    %scan3A_28 = arith.constant 0 : i32
    %scan3A_29 = arith.constant 40 : i32
    %scan3A_30 = arith.addi %scan3A_28, %scan3A_29 : i32
    %scan3A_31 = arith.constant 1 : i32
    scf.for %scan3A_34 = %scan3A_28 to %scan3A_30 step %scan3A_31  : i32 {
      %mul3A_35 = arith.constant 4 : i32
      %mul3A_36 = arith.muli %scan3A_34, %mul3A_35 : i32
      %add3A = arith.constant 0 : i32
      %add3A_37 = arith.addi %add3A, %mul3A_36 : i32
      %dma_wait3A = arith.constant 0 : i32
      %dma_wait3A_38 = arith.constant 0 : i32
      %dma_wait3A_39 = tpu.memref_slice %arg9[%dma_wait3A, %dma_wait3A_38] : memref<160x125xi32, #tpu.memory_space<vmem>> -> memref<1x125xi32, #tpu.memory_space<vmem>>
      %dma_wait3A_40 = tpu.memref_squeeze %dma_wait3A_39 : memref<1x125xi32, #tpu.memory_space<vmem>> -> memref<125xi32, #tpu.memory_space<vmem>>
      %dma_wait3A_41 = arith.constant 0 : i32
      %dma_wait3A_42 = arith.constant 0 : i32
      %dma_wait3A_43 = tpu.memref_slice %arg3[%dma_wait3A_41, %dma_wait3A_42] : memref<20000x64xf32, #tpu.memory_space<hbm>> -> memref<20000x64xf32, #tpu.memory_space<hbm>>
      tpu.wait_indirect_dma semaphore(%arg18 : memref<!tpu.dma_semaphore, #tpu.memory_space<semaphore_mem>>) src(%dma_wait3A_43 : memref<20000x64xf32, #tpu.memory_space<hbm>>) dst(%arg11 : memref<125x64xf32, #tpu.memory_space<vmem>>)
      %add3A_44 = arith.constant 0 : i32
      %add3A_45 = arith.addi %add3A_37, %add3A_44 : i32
      "tpu.region"() ({
        %run_scoped3A_209 = tpu.sem_alloc : memref<!tpu.dma_semaphore, #tpu.memory_space<semaphore_mem>>
        %dma_start3A_210 = arith.constant 0 : i32
        %dma_start3A_211 = tpu.memref_slice %arg10[%add3A_45, %dma_start3A_210] : memref<160x125xi32, #tpu.memory_space<vmem>> -> memref<1x125xi32, #tpu.memory_space<vmem>>
        %dma_start3A_212 = tpu.memref_squeeze %dma_start3A_211 : memref<1x125xi32, #tpu.memory_space<vmem>> -> memref<125xi32, #tpu.memory_space<vmem>>
        %dma_start3A_213 = arith.constant 0 : i32
        %dma_start3A_214 = arith.constant 0 : i32
        %dma_start3A_215 = tpu.memref_slice %arg16[%dma_start3A_213, %dma_start3A_214] : memref<10240x64xf32, #tpu.memory_space<vmem_shared>> -> memref<10240x64xf32, #tpu.memory_space<vmem_shared>>
        tpu.enqueue_indirect_dma source(%arg11 : memref<125x64xf32, #tpu.memory_space<vmem>>) target(%dma_start3A_215 : memref<10240x64xf32, #tpu.memory_space<vmem_shared>>) offsets(%dma_start3A_212 : memref<125xi32, #tpu.memory_space<vmem>>) semaphore(%run_scoped3A_209 : memref<!tpu.dma_semaphore, #tpu.memory_space<semaphore_mem>>) {add = true}
        %dma_wait3A_216 = arith.constant 0 : i32
        %dma_wait3A_217 = tpu.memref_slice %arg10[%add3A_45, %dma_wait3A_216] : memref<160x125xi32, #tpu.memory_space<vmem>> -> memref<1x125xi32, #tpu.memory_space<vmem>>
        %dma_wait3A_218 = tpu.memref_squeeze %dma_wait3A_217 : memref<1x125xi32, #tpu.memory_space<vmem>> -> memref<125xi32, #tpu.memory_space<vmem>>
        %dma_wait3A_219 = arith.constant 0 : i32
        %dma_wait3A_220 = arith.constant 0 : i32
        %dma_wait3A_221 = tpu.memref_slice %arg16[%dma_wait3A_219, %dma_wait3A_220] : memref<10240x64xf32, #tpu.memory_space<vmem_shared>> -> memref<10240x64xf32, #tpu.memory_space<vmem_shared>>
        tpu.wait_indirect_dma semaphore(%run_scoped3A_209 : memref<!tpu.dma_semaphore, #tpu.memory_space<semaphore_mem>>) src(%arg11 : memref<125x64xf32, #tpu.memory_space<vmem>>) dst(%dma_wait3A_221 : memref<10240x64xf32, #tpu.memory_space<vmem_shared>>)
        tpu.yield
      }) : () -> ()
      %jit3A = arith.constant 80 : i32
      %div3A = arith.divsi %add3A_45, %jit3A : i32
      %sign3A = arith.constant 0 : i32
      %sign3A_46 = arith.cmpi sgt, %add3A_45, %sign3A : i32
      %sign3A_47 = arith.extui %sign3A_46 : i1 to i32
      %sign3A_48 = arith.constant 0 : i32
      %sign3A_49 = arith.cmpi slt, %add3A_45, %sign3A_48 : i32
      %sign3A_50 = arith.extui %sign3A_49 : i1 to i32
      %sign3A_51 = arith.subi %sign3A_47, %sign3A_50 : i32
      %sign3A_52 = arith.constant 0 : i32
      %sign3A_53 = arith.cmpi sgt, %jit3A, %sign3A_52 : i32
      %sign3A_54 = arith.extui %sign3A_53 : i1 to i32
      %sign3A_55 = arith.constant 0 : i32
      %sign3A_56 = arith.cmpi slt, %jit3A, %sign3A_55 : i32
      %sign3A_57 = arith.extui %sign3A_56 : i1 to i32
      %sign3A_58 = arith.subi %sign3A_54, %sign3A_57 : i32
      %ne3A = arith.cmpi ne, %sign3A_51, %sign3A_58 : i32
      %rem3A = arith.remsi %add3A_45, %jit3A : i32
      %ne3A_59 = arith.constant 0 : i32
      %ne3A_60 = arith.cmpi ne, %rem3A, %ne3A_59 : i32
      %and3A = arith.andi %ne3A, %ne3A_60 : i1
      %sub3A = arith.constant 1 : i32
      %sub3A_61 = arith.subi %div3A, %sub3A : i32
      %select_n3A = arith.select %and3A, %sub3A_61, %div3A : i32
      %eq3A = arith.cmpi eq, %select_n3A, %arg0 : i32
      %convert_element_type3A = arith.extui %eq3A : i1 to i32
      %cond3A = arith.constant 0 : i32
      %cond3A_62 = arith.cmpi ne, %convert_element_type3A, %cond3A : i32
      scf.if %cond3A_62 {
        "tpu.region"() ({
          %run_scoped3A_209 = tpu.sem_alloc : memref<!tpu.dma_semaphore, #tpu.memory_space<semaphore_mem>>
          %dma_start3A_210 = arith.constant 0 : i32
          %dma_start3A_211 = tpu.memref_slice %arg10[%add3A_45, %dma_start3A_210] : memref<160x125xi32, #tpu.memory_space<vmem>> -> memref<1x125xi32, #tpu.memory_space<vmem>>
          %dma_start3A_212 = tpu.memref_squeeze %dma_start3A_211 : memref<1x125xi32, #tpu.memory_space<vmem>> -> memref<125xi32, #tpu.memory_space<vmem>>
          %dma_start3A_213 = arith.constant 0 : i32
          %dma_start3A_214 = arith.constant 0 : i32
          %dma_start3A_215 = tpu.memref_slice %arg17[%dma_start3A_213, %dma_start3A_214] : memref<10240x8xf32, #tpu.memory_space<vmem_shared>> -> memref<10240x8xf32, #tpu.memory_space<vmem_shared>>
          tpu.enqueue_indirect_dma source(%arg15 : memref<125x8xf32, #tpu.memory_space<vmem>>) target(%dma_start3A_215 : memref<10240x8xf32, #tpu.memory_space<vmem_shared>>) offsets(%dma_start3A_212 : memref<125xi32, #tpu.memory_space<vmem>>) semaphore(%run_scoped3A_209 : memref<!tpu.dma_semaphore, #tpu.memory_space<semaphore_mem>>) {add = true}
          %dma_wait3A_216 = arith.constant 0 : i32
          %dma_wait3A_217 = tpu.memref_slice %arg10[%add3A_45, %dma_wait3A_216] : memref<160x125xi32, #tpu.memory_space<vmem>> -> memref<1x125xi32, #tpu.memory_space<vmem>>
          %dma_wait3A_218 = tpu.memref_squeeze %dma_wait3A_217 : memref<1x125xi32, #tpu.memory_space<vmem>> -> memref<125xi32, #tpu.memory_space<vmem>>
          %dma_wait3A_219 = arith.constant 0 : i32
          %dma_wait3A_220 = arith.constant 0 : i32
          %dma_wait3A_221 = tpu.memref_slice %arg17[%dma_wait3A_219, %dma_wait3A_220] : memref<10240x8xf32, #tpu.memory_space<vmem_shared>> -> memref<10240x8xf32, #tpu.memory_space<vmem_shared>>
          tpu.wait_indirect_dma semaphore(%run_scoped3A_209 : memref<!tpu.dma_semaphore, #tpu.memory_space<semaphore_mem>>) src(%arg15 : memref<125x8xf32, #tpu.memory_space<vmem>>) dst(%dma_wait3A_221 : memref<10240x8xf32, #tpu.memory_space<vmem_shared>>)
          tpu.yield
        }) : () -> ()
      } else {
      }
      %add3A_63 = arith.constant 0 : i32
      %add3A_64 = arith.addi %add3A_37, %add3A_63 : i32
      %add3A_65 = arith.constant 3 : i32
      %add3A_66 = arith.addi %add3A_64, %add3A_65 : i32
      %lt3A = arith.constant 160 : i32
      %lt3A_67 = arith.cmpi slt, %add3A_66, %lt3A : i32
      %convert_element_type3A_68 = arith.extui %lt3A_67 : i1 to i32
      %cond3A_69 = arith.constant 0 : i32
      %cond3A_70 = arith.cmpi ne, %convert_element_type3A_68, %cond3A_69 : i32
      scf.if %cond3A_70 {
        %add3A_209 = arith.constant 0 : i32
        %add3A_210 = arith.addi %add3A_37, %add3A_209 : i32
        %add3A_211 = arith.constant 3 : i32
        %add3A_212 = arith.addi %add3A_210, %add3A_211 : i32
        %dma_start3A_213 = arith.constant 0 : i32
        %dma_start3A_214 = tpu.memref_slice %arg9[%add3A_212, %dma_start3A_213] : memref<160x125xi32, #tpu.memory_space<vmem>> -> memref<1x125xi32, #tpu.memory_space<vmem>>
        %dma_start3A_215 = tpu.memref_squeeze %dma_start3A_214 : memref<1x125xi32, #tpu.memory_space<vmem>> -> memref<125xi32, #tpu.memory_space<vmem>>
        %dma_start3A_216 = arith.constant 0 : i32
        %dma_start3A_217 = arith.constant 0 : i32
        %dma_start3A_218 = tpu.memref_slice %arg3[%dma_start3A_216, %dma_start3A_217] : memref<20000x64xf32, #tpu.memory_space<hbm>> -> memref<20000x64xf32, #tpu.memory_space<hbm>>
        tpu.enqueue_indirect_dma source(%dma_start3A_218 : memref<20000x64xf32, #tpu.memory_space<hbm>>) target(%arg14 : memref<125x64xf32, #tpu.memory_space<vmem>>) offsets(%dma_start3A_215 : memref<125xi32, #tpu.memory_space<vmem>>) semaphore(%arg21 : memref<!tpu.dma_semaphore, #tpu.memory_space<semaphore_mem>>)
      } else {
      }
      %dma_wait3A_71 = arith.constant 0 : i32
      %dma_wait3A_72 = arith.constant 0 : i32
      %dma_wait3A_73 = tpu.memref_slice %arg9[%dma_wait3A_71, %dma_wait3A_72] : memref<160x125xi32, #tpu.memory_space<vmem>> -> memref<1x125xi32, #tpu.memory_space<vmem>>
      %dma_wait3A_74 = tpu.memref_squeeze %dma_wait3A_73 : memref<1x125xi32, #tpu.memory_space<vmem>> -> memref<125xi32, #tpu.memory_space<vmem>>
      %dma_wait3A_75 = arith.constant 0 : i32
      %dma_wait3A_76 = arith.constant 0 : i32
      %dma_wait3A_77 = tpu.memref_slice %arg3[%dma_wait3A_75, %dma_wait3A_76] : memref<20000x64xf32, #tpu.memory_space<hbm>> -> memref<20000x64xf32, #tpu.memory_space<hbm>>
      tpu.wait_indirect_dma semaphore(%arg19 : memref<!tpu.dma_semaphore, #tpu.memory_space<semaphore_mem>>) src(%dma_wait3A_77 : memref<20000x64xf32, #tpu.memory_space<hbm>>) dst(%arg12 : memref<125x64xf32, #tpu.memory_space<vmem>>)
      %add3A_78 = arith.constant 1 : i32
      %add3A_79 = arith.addi %add3A_37, %add3A_78 : i32
      "tpu.region"() ({
        %run_scoped3A_209 = tpu.sem_alloc : memref<!tpu.dma_semaphore, #tpu.memory_space<semaphore_mem>>
        %dma_start3A_210 = arith.constant 0 : i32
        %dma_start3A_211 = tpu.memref_slice %arg10[%add3A_79, %dma_start3A_210] : memref<160x125xi32, #tpu.memory_space<vmem>> -> memref<1x125xi32, #tpu.memory_space<vmem>>
        %dma_start3A_212 = tpu.memref_squeeze %dma_start3A_211 : memref<1x125xi32, #tpu.memory_space<vmem>> -> memref<125xi32, #tpu.memory_space<vmem>>
        %dma_start3A_213 = arith.constant 0 : i32
        %dma_start3A_214 = arith.constant 0 : i32
        %dma_start3A_215 = tpu.memref_slice %arg16[%dma_start3A_213, %dma_start3A_214] : memref<10240x64xf32, #tpu.memory_space<vmem_shared>> -> memref<10240x64xf32, #tpu.memory_space<vmem_shared>>
        tpu.enqueue_indirect_dma source(%arg12 : memref<125x64xf32, #tpu.memory_space<vmem>>) target(%dma_start3A_215 : memref<10240x64xf32, #tpu.memory_space<vmem_shared>>) offsets(%dma_start3A_212 : memref<125xi32, #tpu.memory_space<vmem>>) semaphore(%run_scoped3A_209 : memref<!tpu.dma_semaphore, #tpu.memory_space<semaphore_mem>>) {add = true}
        %dma_wait3A_216 = arith.constant 0 : i32
        %dma_wait3A_217 = tpu.memref_slice %arg10[%add3A_79, %dma_wait3A_216] : memref<160x125xi32, #tpu.memory_space<vmem>> -> memref<1x125xi32, #tpu.memory_space<vmem>>
        %dma_wait3A_218 = tpu.memref_squeeze %dma_wait3A_217 : memref<1x125xi32, #tpu.memory_space<vmem>> -> memref<125xi32, #tpu.memory_space<vmem>>
        %dma_wait3A_219 = arith.constant 0 : i32
        %dma_wait3A_220 = arith.constant 0 : i32
        %dma_wait3A_221 = tpu.memref_slice %arg16[%dma_wait3A_219, %dma_wait3A_220] : memref<10240x64xf32, #tpu.memory_space<vmem_shared>> -> memref<10240x64xf32, #tpu.memory_space<vmem_shared>>
        tpu.wait_indirect_dma semaphore(%run_scoped3A_209 : memref<!tpu.dma_semaphore, #tpu.memory_space<semaphore_mem>>) src(%arg12 : memref<125x64xf32, #tpu.memory_space<vmem>>) dst(%dma_wait3A_221 : memref<10240x64xf32, #tpu.memory_space<vmem_shared>>)
        tpu.yield
      }) : () -> ()
      %jit3A_80 = arith.constant 80 : i32
      %div3A_81 = arith.divsi %add3A_79, %jit3A_80 : i32
      %sign3A_82 = arith.constant 0 : i32
      %sign3A_83 = arith.cmpi sgt, %add3A_79, %sign3A_82 : i32
      %sign3A_84 = arith.extui %sign3A_83 : i1 to i32
      %sign3A_85 = arith.constant 0 : i32
      %sign3A_86 = arith.cmpi slt, %add3A_79, %sign3A_85 : i32
      %sign3A_87 = arith.extui %sign3A_86 : i1 to i32
      %sign3A_88 = arith.subi %sign3A_84, %sign3A_87 : i32
      %sign3A_89 = arith.constant 0 : i32
      %sign3A_90 = arith.cmpi sgt, %jit3A_80, %sign3A_89 : i32
      %sign3A_91 = arith.extui %sign3A_90 : i1 to i32
      %sign3A_92 = arith.constant 0 : i32
      %sign3A_93 = arith.cmpi slt, %jit3A_80, %sign3A_92 : i32
      %sign3A_94 = arith.extui %sign3A_93 : i1 to i32
      %sign3A_95 = arith.subi %sign3A_91, %sign3A_94 : i32
      %ne3A_96 = arith.cmpi ne, %sign3A_88, %sign3A_95 : i32
      %rem3A_97 = arith.remsi %add3A_79, %jit3A_80 : i32
      %ne3A_98 = arith.constant 0 : i32
      %ne3A_99 = arith.cmpi ne, %rem3A_97, %ne3A_98 : i32
      %and3A_100 = arith.andi %ne3A_96, %ne3A_99 : i1
      %sub3A_101 = arith.constant 1 : i32
      %sub3A_102 = arith.subi %div3A_81, %sub3A_101 : i32
      %select_n3A_103 = arith.select %and3A_100, %sub3A_102, %div3A_81 : i32
      %eq3A_104 = arith.cmpi eq, %select_n3A_103, %arg0 : i32
      %convert_element_type3A_105 = arith.extui %eq3A_104 : i1 to i32
      %cond3A_106 = arith.constant 0 : i32
      %cond3A_107 = arith.cmpi ne, %convert_element_type3A_105, %cond3A_106 : i32
      scf.if %cond3A_107 {
        "tpu.region"() ({
          %run_scoped3A_209 = tpu.sem_alloc : memref<!tpu.dma_semaphore, #tpu.memory_space<semaphore_mem>>
          %dma_start3A_210 = arith.constant 0 : i32
          %dma_start3A_211 = tpu.memref_slice %arg10[%add3A_79, %dma_start3A_210] : memref<160x125xi32, #tpu.memory_space<vmem>> -> memref<1x125xi32, #tpu.memory_space<vmem>>
          %dma_start3A_212 = tpu.memref_squeeze %dma_start3A_211 : memref<1x125xi32, #tpu.memory_space<vmem>> -> memref<125xi32, #tpu.memory_space<vmem>>
          %dma_start3A_213 = arith.constant 0 : i32
          %dma_start3A_214 = arith.constant 0 : i32
          %dma_start3A_215 = tpu.memref_slice %arg17[%dma_start3A_213, %dma_start3A_214] : memref<10240x8xf32, #tpu.memory_space<vmem_shared>> -> memref<10240x8xf32, #tpu.memory_space<vmem_shared>>
          tpu.enqueue_indirect_dma source(%arg15 : memref<125x8xf32, #tpu.memory_space<vmem>>) target(%dma_start3A_215 : memref<10240x8xf32, #tpu.memory_space<vmem_shared>>) offsets(%dma_start3A_212 : memref<125xi32, #tpu.memory_space<vmem>>) semaphore(%run_scoped3A_209 : memref<!tpu.dma_semaphore, #tpu.memory_space<semaphore_mem>>) {add = true}
          %dma_wait3A_216 = arith.constant 0 : i32
          %dma_wait3A_217 = tpu.memref_slice %arg10[%add3A_79, %dma_wait3A_216] : memref<160x125xi32, #tpu.memory_space<vmem>> -> memref<1x125xi32, #tpu.memory_space<vmem>>
          %dma_wait3A_218 = tpu.memref_squeeze %dma_wait3A_217 : memref<1x125xi32, #tpu.memory_space<vmem>> -> memref<125xi32, #tpu.memory_space<vmem>>
          %dma_wait3A_219 = arith.constant 0 : i32
          %dma_wait3A_220 = arith.constant 0 : i32
          %dma_wait3A_221 = tpu.memref_slice %arg17[%dma_wait3A_219, %dma_wait3A_220] : memref<10240x8xf32, #tpu.memory_space<vmem_shared>> -> memref<10240x8xf32, #tpu.memory_space<vmem_shared>>
          tpu.wait_indirect_dma semaphore(%run_scoped3A_209 : memref<!tpu.dma_semaphore, #tpu.memory_space<semaphore_mem>>) src(%arg15 : memref<125x8xf32, #tpu.memory_space<vmem>>) dst(%dma_wait3A_221 : memref<10240x8xf32, #tpu.memory_space<vmem_shared>>)
          tpu.yield
        }) : () -> ()
      } else {
      }
      %add3A_108 = arith.constant 1 : i32
      %add3A_109 = arith.addi %add3A_37, %add3A_108 : i32
      %add3A_110 = arith.constant 3 : i32
      %add3A_111 = arith.addi %add3A_109, %add3A_110 : i32
      %lt3A_112 = arith.constant 160 : i32
      %lt3A_113 = arith.cmpi slt, %add3A_111, %lt3A_112 : i32
      %convert_element_type3A_114 = arith.extui %lt3A_113 : i1 to i32
      %cond3A_115 = arith.constant 0 : i32
      %cond3A_116 = arith.cmpi ne, %convert_element_type3A_114, %cond3A_115 : i32
      scf.if %cond3A_116 {
        %add3A_209 = arith.constant 1 : i32
        %add3A_210 = arith.addi %add3A_37, %add3A_209 : i32
        %add3A_211 = arith.constant 3 : i32
        %add3A_212 = arith.addi %add3A_210, %add3A_211 : i32
        %dma_start3A_213 = arith.constant 0 : i32
        %dma_start3A_214 = tpu.memref_slice %arg9[%add3A_212, %dma_start3A_213] : memref<160x125xi32, #tpu.memory_space<vmem>> -> memref<1x125xi32, #tpu.memory_space<vmem>>
        %dma_start3A_215 = tpu.memref_squeeze %dma_start3A_214 : memref<1x125xi32, #tpu.memory_space<vmem>> -> memref<125xi32, #tpu.memory_space<vmem>>
        %dma_start3A_216 = arith.constant 0 : i32
        %dma_start3A_217 = arith.constant 0 : i32
        %dma_start3A_218 = tpu.memref_slice %arg3[%dma_start3A_216, %dma_start3A_217] : memref<20000x64xf32, #tpu.memory_space<hbm>> -> memref<20000x64xf32, #tpu.memory_space<hbm>>
        tpu.enqueue_indirect_dma source(%dma_start3A_218 : memref<20000x64xf32, #tpu.memory_space<hbm>>) target(%arg11 : memref<125x64xf32, #tpu.memory_space<vmem>>) offsets(%dma_start3A_215 : memref<125xi32, #tpu.memory_space<vmem>>) semaphore(%arg18 : memref<!tpu.dma_semaphore, #tpu.memory_space<semaphore_mem>>)
      } else {
      }
      %dma_wait3A_117 = arith.constant 0 : i32
      %dma_wait3A_118 = arith.constant 0 : i32
      %dma_wait3A_119 = tpu.memref_slice %arg9[%dma_wait3A_117, %dma_wait3A_118] : memref<160x125xi32, #tpu.memory_space<vmem>> -> memref<1x125xi32, #tpu.memory_space<vmem>>
      %dma_wait3A_120 = tpu.memref_squeeze %dma_wait3A_119 : memref<1x125xi32, #tpu.memory_space<vmem>> -> memref<125xi32, #tpu.memory_space<vmem>>
      %dma_wait3A_121 = arith.constant 0 : i32
      %dma_wait3A_122 = arith.constant 0 : i32
      %dma_wait3A_123 = tpu.memref_slice %arg3[%dma_wait3A_121, %dma_wait3A_122] : memref<20000x64xf32, #tpu.memory_space<hbm>> -> memref<20000x64xf32, #tpu.memory_space<hbm>>
      tpu.wait_indirect_dma semaphore(%arg20 : memref<!tpu.dma_semaphore, #tpu.memory_space<semaphore_mem>>) src(%dma_wait3A_123 : memref<20000x64xf32, #tpu.memory_space<hbm>>) dst(%arg13 : memref<125x64xf32, #tpu.memory_space<vmem>>)
      %add3A_124 = arith.constant 2 : i32
      %add3A_125 = arith.addi %add3A_37, %add3A_124 : i32
      "tpu.region"() ({
        %run_scoped3A_209 = tpu.sem_alloc : memref<!tpu.dma_semaphore, #tpu.memory_space<semaphore_mem>>
        %dma_start3A_210 = arith.constant 0 : i32
        %dma_start3A_211 = tpu.memref_slice %arg10[%add3A_125, %dma_start3A_210] : memref<160x125xi32, #tpu.memory_space<vmem>> -> memref<1x125xi32, #tpu.memory_space<vmem>>
        %dma_start3A_212 = tpu.memref_squeeze %dma_start3A_211 : memref<1x125xi32, #tpu.memory_space<vmem>> -> memref<125xi32, #tpu.memory_space<vmem>>
        %dma_start3A_213 = arith.constant 0 : i32
        %dma_start3A_214 = arith.constant 0 : i32
        %dma_start3A_215 = tpu.memref_slice %arg16[%dma_start3A_213, %dma_start3A_214] : memref<10240x64xf32, #tpu.memory_space<vmem_shared>> -> memref<10240x64xf32, #tpu.memory_space<vmem_shared>>
        tpu.enqueue_indirect_dma source(%arg13 : memref<125x64xf32, #tpu.memory_space<vmem>>) target(%dma_start3A_215 : memref<10240x64xf32, #tpu.memory_space<vmem_shared>>) offsets(%dma_start3A_212 : memref<125xi32, #tpu.memory_space<vmem>>) semaphore(%run_scoped3A_209 : memref<!tpu.dma_semaphore, #tpu.memory_space<semaphore_mem>>) {add = true}
        %dma_wait3A_216 = arith.constant 0 : i32
        %dma_wait3A_217 = tpu.memref_slice %arg10[%add3A_125, %dma_wait3A_216] : memref<160x125xi32, #tpu.memory_space<vmem>> -> memref<1x125xi32, #tpu.memory_space<vmem>>
        %dma_wait3A_218 = tpu.memref_squeeze %dma_wait3A_217 : memref<1x125xi32, #tpu.memory_space<vmem>> -> memref<125xi32, #tpu.memory_space<vmem>>
        %dma_wait3A_219 = arith.constant 0 : i32
        %dma_wait3A_220 = arith.constant 0 : i32
        %dma_wait3A_221 = tpu.memref_slice %arg16[%dma_wait3A_219, %dma_wait3A_220] : memref<10240x64xf32, #tpu.memory_space<vmem_shared>> -> memref<10240x64xf32, #tpu.memory_space<vmem_shared>>
        tpu.wait_indirect_dma semaphore(%run_scoped3A_209 : memref<!tpu.dma_semaphore, #tpu.memory_space<semaphore_mem>>) src(%arg13 : memref<125x64xf32, #tpu.memory_space<vmem>>) dst(%dma_wait3A_221 : memref<10240x64xf32, #tpu.memory_space<vmem_shared>>)
        tpu.yield
      }) : () -> ()
      %jit3A_126 = arith.constant 80 : i32
      %div3A_127 = arith.divsi %add3A_125, %jit3A_126 : i32
      %sign3A_128 = arith.constant 0 : i32
      %sign3A_129 = arith.cmpi sgt, %add3A_125, %sign3A_128 : i32
      %sign3A_130 = arith.extui %sign3A_129 : i1 to i32
      %sign3A_131 = arith.constant 0 : i32
      %sign3A_132 = arith.cmpi slt, %add3A_125, %sign3A_131 : i32
      %sign3A_133 = arith.extui %sign3A_132 : i1 to i32
      %sign3A_134 = arith.subi %sign3A_130, %sign3A_133 : i32
      %sign3A_135 = arith.constant 0 : i32
      %sign3A_136 = arith.cmpi sgt, %jit3A_126, %sign3A_135 : i32
      %sign3A_137 = arith.extui %sign3A_136 : i1 to i32
      %sign3A_138 = arith.constant 0 : i32
      %sign3A_139 = arith.cmpi slt, %jit3A_126, %sign3A_138 : i32
      %sign3A_140 = arith.extui %sign3A_139 : i1 to i32
      %sign3A_141 = arith.subi %sign3A_137, %sign3A_140 : i32
      %ne3A_142 = arith.cmpi ne, %sign3A_134, %sign3A_141 : i32
      %rem3A_143 = arith.remsi %add3A_125, %jit3A_126 : i32
      %ne3A_144 = arith.constant 0 : i32
      %ne3A_145 = arith.cmpi ne, %rem3A_143, %ne3A_144 : i32
      %and3A_146 = arith.andi %ne3A_142, %ne3A_145 : i1
      %sub3A_147 = arith.constant 1 : i32
      %sub3A_148 = arith.subi %div3A_127, %sub3A_147 : i32
      %select_n3A_149 = arith.select %and3A_146, %sub3A_148, %div3A_127 : i32
      %eq3A_150 = arith.cmpi eq, %select_n3A_149, %arg0 : i32
      %convert_element_type3A_151 = arith.extui %eq3A_150 : i1 to i32
      %cond3A_152 = arith.constant 0 : i32
      %cond3A_153 = arith.cmpi ne, %convert_element_type3A_151, %cond3A_152 : i32
      scf.if %cond3A_153 {
        "tpu.region"() ({
          %run_scoped3A_209 = tpu.sem_alloc : memref<!tpu.dma_semaphore, #tpu.memory_space<semaphore_mem>>
          %dma_start3A_210 = arith.constant 0 : i32
          %dma_start3A_211 = tpu.memref_slice %arg10[%add3A_125, %dma_start3A_210] : memref<160x125xi32, #tpu.memory_space<vmem>> -> memref<1x125xi32, #tpu.memory_space<vmem>>
          %dma_start3A_212 = tpu.memref_squeeze %dma_start3A_211 : memref<1x125xi32, #tpu.memory_space<vmem>> -> memref<125xi32, #tpu.memory_space<vmem>>
          %dma_start3A_213 = arith.constant 0 : i32
          %dma_start3A_214 = arith.constant 0 : i32
          %dma_start3A_215 = tpu.memref_slice %arg17[%dma_start3A_213, %dma_start3A_214] : memref<10240x8xf32, #tpu.memory_space<vmem_shared>> -> memref<10240x8xf32, #tpu.memory_space<vmem_shared>>
          tpu.enqueue_indirect_dma source(%arg15 : memref<125x8xf32, #tpu.memory_space<vmem>>) target(%dma_start3A_215 : memref<10240x8xf32, #tpu.memory_space<vmem_shared>>) offsets(%dma_start3A_212 : memref<125xi32, #tpu.memory_space<vmem>>) semaphore(%run_scoped3A_209 : memref<!tpu.dma_semaphore, #tpu.memory_space<semaphore_mem>>) {add = true}
          %dma_wait3A_216 = arith.constant 0 : i32
          %dma_wait3A_217 = tpu.memref_slice %arg10[%add3A_125, %dma_wait3A_216] : memref<160x125xi32, #tpu.memory_space<vmem>> -> memref<1x125xi32, #tpu.memory_space<vmem>>
          %dma_wait3A_218 = tpu.memref_squeeze %dma_wait3A_217 : memref<1x125xi32, #tpu.memory_space<vmem>> -> memref<125xi32, #tpu.memory_space<vmem>>
          %dma_wait3A_219 = arith.constant 0 : i32
          %dma_wait3A_220 = arith.constant 0 : i32
          %dma_wait3A_221 = tpu.memref_slice %arg17[%dma_wait3A_219, %dma_wait3A_220] : memref<10240x8xf32, #tpu.memory_space<vmem_shared>> -> memref<10240x8xf32, #tpu.memory_space<vmem_shared>>
          tpu.wait_indirect_dma semaphore(%run_scoped3A_209 : memref<!tpu.dma_semaphore, #tpu.memory_space<semaphore_mem>>) src(%arg15 : memref<125x8xf32, #tpu.memory_space<vmem>>) dst(%dma_wait3A_221 : memref<10240x8xf32, #tpu.memory_space<vmem_shared>>)
          tpu.yield
        }) : () -> ()
      } else {
      }
      %add3A_154 = arith.constant 2 : i32
      %add3A_155 = arith.addi %add3A_37, %add3A_154 : i32
      %add3A_156 = arith.constant 3 : i32
      %add3A_157 = arith.addi %add3A_155, %add3A_156 : i32
      %lt3A_158 = arith.constant 160 : i32
      %lt3A_159 = arith.cmpi slt, %add3A_157, %lt3A_158 : i32
      %convert_element_type3A_160 = arith.extui %lt3A_159 : i1 to i32
      %cond3A_161 = arith.constant 0 : i32
      %cond3A_162 = arith.cmpi ne, %convert_element_type3A_160, %cond3A_161 : i32
      scf.if %cond3A_162 {
        %add3A_209 = arith.constant 2 : i32
        %add3A_210 = arith.addi %add3A_37, %add3A_209 : i32
        %add3A_211 = arith.constant 3 : i32
        %add3A_212 = arith.addi %add3A_210, %add3A_211 : i32
        %dma_start3A_213 = arith.constant 0 : i32
        %dma_start3A_214 = tpu.memref_slice %arg9[%add3A_212, %dma_start3A_213] : memref<160x125xi32, #tpu.memory_space<vmem>> -> memref<1x125xi32, #tpu.memory_space<vmem>>
        %dma_start3A_215 = tpu.memref_squeeze %dma_start3A_214 : memref<1x125xi32, #tpu.memory_space<vmem>> -> memref<125xi32, #tpu.memory_space<vmem>>
        %dma_start3A_216 = arith.constant 0 : i32
        %dma_start3A_217 = arith.constant 0 : i32
        %dma_start3A_218 = tpu.memref_slice %arg3[%dma_start3A_216, %dma_start3A_217] : memref<20000x64xf32, #tpu.memory_space<hbm>> -> memref<20000x64xf32, #tpu.memory_space<hbm>>
        tpu.enqueue_indirect_dma source(%dma_start3A_218 : memref<20000x64xf32, #tpu.memory_space<hbm>>) target(%arg12 : memref<125x64xf32, #tpu.memory_space<vmem>>) offsets(%dma_start3A_215 : memref<125xi32, #tpu.memory_space<vmem>>) semaphore(%arg19 : memref<!tpu.dma_semaphore, #tpu.memory_space<semaphore_mem>>)
      } else {
      }
      %dma_wait3A_163 = arith.constant 0 : i32
      %dma_wait3A_164 = arith.constant 0 : i32
      %dma_wait3A_165 = tpu.memref_slice %arg9[%dma_wait3A_163, %dma_wait3A_164] : memref<160x125xi32, #tpu.memory_space<vmem>> -> memref<1x125xi32, #tpu.memory_space<vmem>>
      %dma_wait3A_166 = tpu.memref_squeeze %dma_wait3A_165 : memref<1x125xi32, #tpu.memory_space<vmem>> -> memref<125xi32, #tpu.memory_space<vmem>>
      %dma_wait3A_167 = arith.constant 0 : i32
      %dma_wait3A_168 = arith.constant 0 : i32
      %dma_wait3A_169 = tpu.memref_slice %arg3[%dma_wait3A_167, %dma_wait3A_168] : memref<20000x64xf32, #tpu.memory_space<hbm>> -> memref<20000x64xf32, #tpu.memory_space<hbm>>
      tpu.wait_indirect_dma semaphore(%arg21 : memref<!tpu.dma_semaphore, #tpu.memory_space<semaphore_mem>>) src(%dma_wait3A_169 : memref<20000x64xf32, #tpu.memory_space<hbm>>) dst(%arg14 : memref<125x64xf32, #tpu.memory_space<vmem>>)
      %add3A_170 = arith.constant 3 : i32
      %add3A_171 = arith.addi %add3A_37, %add3A_170 : i32
      "tpu.region"() ({
        %run_scoped3A_209 = tpu.sem_alloc : memref<!tpu.dma_semaphore, #tpu.memory_space<semaphore_mem>>
        %dma_start3A_210 = arith.constant 0 : i32
        %dma_start3A_211 = tpu.memref_slice %arg10[%add3A_171, %dma_start3A_210] : memref<160x125xi32, #tpu.memory_space<vmem>> -> memref<1x125xi32, #tpu.memory_space<vmem>>
        %dma_start3A_212 = tpu.memref_squeeze %dma_start3A_211 : memref<1x125xi32, #tpu.memory_space<vmem>> -> memref<125xi32, #tpu.memory_space<vmem>>
        %dma_start3A_213 = arith.constant 0 : i32
        %dma_start3A_214 = arith.constant 0 : i32
        %dma_start3A_215 = tpu.memref_slice %arg16[%dma_start3A_213, %dma_start3A_214] : memref<10240x64xf32, #tpu.memory_space<vmem_shared>> -> memref<10240x64xf32, #tpu.memory_space<vmem_shared>>
        tpu.enqueue_indirect_dma source(%arg14 : memref<125x64xf32, #tpu.memory_space<vmem>>) target(%dma_start3A_215 : memref<10240x64xf32, #tpu.memory_space<vmem_shared>>) offsets(%dma_start3A_212 : memref<125xi32, #tpu.memory_space<vmem>>) semaphore(%run_scoped3A_209 : memref<!tpu.dma_semaphore, #tpu.memory_space<semaphore_mem>>) {add = true}
        %dma_wait3A_216 = arith.constant 0 : i32
        %dma_wait3A_217 = tpu.memref_slice %arg10[%add3A_171, %dma_wait3A_216] : memref<160x125xi32, #tpu.memory_space<vmem>> -> memref<1x125xi32, #tpu.memory_space<vmem>>
        %dma_wait3A_218 = tpu.memref_squeeze %dma_wait3A_217 : memref<1x125xi32, #tpu.memory_space<vmem>> -> memref<125xi32, #tpu.memory_space<vmem>>
        %dma_wait3A_219 = arith.constant 0 : i32
        %dma_wait3A_220 = arith.constant 0 : i32
        %dma_wait3A_221 = tpu.memref_slice %arg16[%dma_wait3A_219, %dma_wait3A_220] : memref<10240x64xf32, #tpu.memory_space<vmem_shared>> -> memref<10240x64xf32, #tpu.memory_space<vmem_shared>>
        tpu.wait_indirect_dma semaphore(%run_scoped3A_209 : memref<!tpu.dma_semaphore, #tpu.memory_space<semaphore_mem>>) src(%arg14 : memref<125x64xf32, #tpu.memory_space<vmem>>) dst(%dma_wait3A_221 : memref<10240x64xf32, #tpu.memory_space<vmem_shared>>)
        tpu.yield
      }) : () -> ()
      %jit3A_172 = arith.constant 80 : i32
      %div3A_173 = arith.divsi %add3A_171, %jit3A_172 : i32
      %sign3A_174 = arith.constant 0 : i32
      %sign3A_175 = arith.cmpi sgt, %add3A_171, %sign3A_174 : i32
      %sign3A_176 = arith.extui %sign3A_175 : i1 to i32
      %sign3A_177 = arith.constant 0 : i32
      %sign3A_178 = arith.cmpi slt, %add3A_171, %sign3A_177 : i32
      %sign3A_179 = arith.extui %sign3A_178 : i1 to i32
      %sign3A_180 = arith.subi %sign3A_176, %sign3A_179 : i32
      %sign3A_181 = arith.constant 0 : i32
      %sign3A_182 = arith.cmpi sgt, %jit3A_172, %sign3A_181 : i32
      %sign3A_183 = arith.extui %sign3A_182 : i1 to i32
      %sign3A_184 = arith.constant 0 : i32
      %sign3A_185 = arith.cmpi slt, %jit3A_172, %sign3A_184 : i32
      %sign3A_186 = arith.extui %sign3A_185 : i1 to i32
      %sign3A_187 = arith.subi %sign3A_183, %sign3A_186 : i32
      %ne3A_188 = arith.cmpi ne, %sign3A_180, %sign3A_187 : i32
      %rem3A_189 = arith.remsi %add3A_171, %jit3A_172 : i32
      %ne3A_190 = arith.constant 0 : i32
      %ne3A_191 = arith.cmpi ne, %rem3A_189, %ne3A_190 : i32
      %and3A_192 = arith.andi %ne3A_188, %ne3A_191 : i1
      %sub3A_193 = arith.constant 1 : i32
      %sub3A_194 = arith.subi %div3A_173, %sub3A_193 : i32
      %select_n3A_195 = arith.select %and3A_192, %sub3A_194, %div3A_173 : i32
      %eq3A_196 = arith.cmpi eq, %select_n3A_195, %arg0 : i32
      %convert_element_type3A_197 = arith.extui %eq3A_196 : i1 to i32
      %cond3A_198 = arith.constant 0 : i32
      %cond3A_199 = arith.cmpi ne, %convert_element_type3A_197, %cond3A_198 : i32
      scf.if %cond3A_199 {
        "tpu.region"() ({
          %run_scoped3A_209 = tpu.sem_alloc : memref<!tpu.dma_semaphore, #tpu.memory_space<semaphore_mem>>
          %dma_start3A_210 = arith.constant 0 : i32
          %dma_start3A_211 = tpu.memref_slice %arg10[%add3A_171, %dma_start3A_210] : memref<160x125xi32, #tpu.memory_space<vmem>> -> memref<1x125xi32, #tpu.memory_space<vmem>>
          %dma_start3A_212 = tpu.memref_squeeze %dma_start3A_211 : memref<1x125xi32, #tpu.memory_space<vmem>> -> memref<125xi32, #tpu.memory_space<vmem>>
          %dma_start3A_213 = arith.constant 0 : i32
          %dma_start3A_214 = arith.constant 0 : i32
          %dma_start3A_215 = tpu.memref_slice %arg17[%dma_start3A_213, %dma_start3A_214] : memref<10240x8xf32, #tpu.memory_space<vmem_shared>> -> memref<10240x8xf32, #tpu.memory_space<vmem_shared>>
          tpu.enqueue_indirect_dma source(%arg15 : memref<125x8xf32, #tpu.memory_space<vmem>>) target(%dma_start3A_215 : memref<10240x8xf32, #tpu.memory_space<vmem_shared>>) offsets(%dma_start3A_212 : memref<125xi32, #tpu.memory_space<vmem>>) semaphore(%run_scoped3A_209 : memref<!tpu.dma_semaphore, #tpu.memory_space<semaphore_mem>>) {add = true}
          %dma_wait3A_216 = arith.constant 0 : i32
          %dma_wait3A_217 = tpu.memref_slice %arg10[%add3A_171, %dma_wait3A_216] : memref<160x125xi32, #tpu.memory_space<vmem>> -> memref<1x125xi32, #tpu.memory_space<vmem>>
          %dma_wait3A_218 = tpu.memref_squeeze %dma_wait3A_217 : memref<1x125xi32, #tpu.memory_space<vmem>> -> memref<125xi32, #tpu.memory_space<vmem>>
          %dma_wait3A_219 = arith.constant 0 : i32
          %dma_wait3A_220 = arith.constant 0 : i32
          %dma_wait3A_221 = tpu.memref_slice %arg17[%dma_wait3A_219, %dma_wait3A_220] : memref<10240x8xf32, #tpu.memory_space<vmem_shared>> -> memref<10240x8xf32, #tpu.memory_space<vmem_shared>>
          tpu.wait_indirect_dma semaphore(%run_scoped3A_209 : memref<!tpu.dma_semaphore, #tpu.memory_space<semaphore_mem>>) src(%arg15 : memref<125x8xf32, #tpu.memory_space<vmem>>) dst(%dma_wait3A_221 : memref<10240x8xf32, #tpu.memory_space<vmem_shared>>)
          tpu.yield
        }) : () -> ()
      } else {
      }
      %add3A_200 = arith.constant 3 : i32
      %add3A_201 = arith.addi %add3A_37, %add3A_200 : i32
      %add3A_202 = arith.constant 3 : i32
      %add3A_203 = arith.addi %add3A_201, %add3A_202 : i32
      %lt3A_204 = arith.constant 160 : i32
      %lt3A_205 = arith.cmpi slt, %add3A_203, %lt3A_204 : i32
      %convert_element_type3A_206 = arith.extui %lt3A_205 : i1 to i32
      %cond3A_207 = arith.constant 0 : i32
      %cond3A_208 = arith.cmpi ne, %convert_element_type3A_206, %cond3A_207 : i32
      scf.if %cond3A_208 {
        %add3A_209 = arith.constant 3 : i32
        %add3A_210 = arith.addi %add3A_37, %add3A_209 : i32
        %add3A_211 = arith.constant 3 : i32
        %add3A_212 = arith.addi %add3A_210, %add3A_211 : i32
        %dma_start3A_213 = arith.constant 0 : i32
        %dma_start3A_214 = tpu.memref_slice %arg9[%add3A_212, %dma_start3A_213] : memref<160x125xi32, #tpu.memory_space<vmem>> -> memref<1x125xi32, #tpu.memory_space<vmem>>
        %dma_start3A_215 = tpu.memref_squeeze %dma_start3A_214 : memref<1x125xi32, #tpu.memory_space<vmem>> -> memref<125xi32, #tpu.memory_space<vmem>>
        %dma_start3A_216 = arith.constant 0 : i32
        %dma_start3A_217 = arith.constant 0 : i32
        %dma_start3A_218 = tpu.memref_slice %arg3[%dma_start3A_216, %dma_start3A_217] : memref<20000x64xf32, #tpu.memory_space<hbm>> -> memref<20000x64xf32, #tpu.memory_space<hbm>>
        tpu.enqueue_indirect_dma source(%dma_start3A_218 : memref<20000x64xf32, #tpu.memory_space<hbm>>) target(%arg13 : memref<125x64xf32, #tpu.memory_space<vmem>>) offsets(%dma_start3A_215 : memref<125xi32, #tpu.memory_space<vmem>>) semaphore(%arg20 : memref<!tpu.dma_semaphore, #tpu.memory_space<semaphore_mem>>)
      } else {
      }
    }
    %scan3A_32 = arith.constant 40 : i32
    %barrier3A_33 = arith.constant 0 : index
    tpu.barrier barrier_id(%barrier3A_33)
    "tpu.region"() ({
      %run_scoped3A_34 = tpu.sem_alloc : memref<!tpu.dma_semaphore, #tpu.memory_space<semaphore_mem>>
      %dma_start3A_35 = arith.constant 0 : i32
      %dma_start3A_36 = tpu.memref_slice %arg7[%arg0, %mul3A_0, %dma_start3A_35] : memref<2x10240x64xf32, #tpu.memory_space<hbm>> -> memref<1x640x64xf32, #tpu.memory_space<hbm>>
      %dma_start3A_37 = tpu.memref_squeeze %dma_start3A_36 : memref<1x640x64xf32, #tpu.memory_space<hbm>> -> memref<640x64xf32, #tpu.memory_space<hbm>>
      %dma_start3A_38 = arith.constant 0 : i32
      %dma_start3A_39 = tpu.memref_slice %arg16[%mul3A_0, %dma_start3A_38] : memref<10240x64xf32, #tpu.memory_space<vmem_shared>> -> memref<640x64xf32, #tpu.memory_space<vmem_shared>>
      tpu.enqueue_dma source(%dma_start3A_39 : memref<640x64xf32, #tpu.memory_space<vmem_shared>>) target(%dma_start3A_37 : memref<640x64xf32, #tpu.memory_space<hbm>>) target_semaphore(%run_scoped3A_34 : memref<!tpu.dma_semaphore, #tpu.memory_space<semaphore_mem>>)
      %dma_wait3A = arith.constant 0 : i32
      %dma_wait3A_40 = tpu.memref_slice %arg7[%arg0, %mul3A_0, %dma_wait3A] : memref<2x10240x64xf32, #tpu.memory_space<hbm>> -> memref<1x640x64xf32, #tpu.memory_space<hbm>>
      %dma_wait3A_41 = tpu.memref_squeeze %dma_wait3A_40 : memref<1x640x64xf32, #tpu.memory_space<hbm>> -> memref<640x64xf32, #tpu.memory_space<hbm>>
      %dma_wait3A_42 = arith.constant 0 : i32
      %dma_wait3A_43 = tpu.memref_slice %arg16[%mul3A_0, %dma_wait3A_42] : memref<10240x64xf32, #tpu.memory_space<vmem_shared>> -> memref<640x64xf32, #tpu.memory_space<vmem_shared>>
      tpu.wait_dma2 semaphore(%run_scoped3A_34 : memref<!tpu.dma_semaphore, #tpu.memory_space<semaphore_mem>>) src(%dma_wait3A_43 : memref<640x64xf32, #tpu.memory_space<vmem_shared>>) dst(%dma_wait3A_41 : memref<640x64xf32, #tpu.memory_space<hbm>>)
      tpu.yield
    }) : () -> ()
    "tpu.region"() ({
      %run_scoped3A_34 = tpu.sem_alloc : memref<!tpu.dma_semaphore, #tpu.memory_space<semaphore_mem>>
      %dma_start3A_35 = arith.constant 0 : i32
      %dma_start3A_36 = tpu.memref_slice %arg8[%arg0, %mul3A_0, %dma_start3A_35] : memref<2x10240x8xf32, #tpu.memory_space<hbm>> -> memref<1x640x8xf32, #tpu.memory_space<hbm>>
      %dma_start3A_37 = tpu.memref_squeeze %dma_start3A_36 : memref<1x640x8xf32, #tpu.memory_space<hbm>> -> memref<640x8xf32, #tpu.memory_space<hbm>>
      %dma_start3A_38 = arith.constant 0 : i32
      %dma_start3A_39 = tpu.memref_slice %arg17[%mul3A_0, %dma_start3A_38] : memref<10240x8xf32, #tpu.memory_space<vmem_shared>> -> memref<640x8xf32, #tpu.memory_space<vmem_shared>>
      tpu.enqueue_dma source(%dma_start3A_39 : memref<640x8xf32, #tpu.memory_space<vmem_shared>>) target(%dma_start3A_37 : memref<640x8xf32, #tpu.memory_space<hbm>>) target_semaphore(%run_scoped3A_34 : memref<!tpu.dma_semaphore, #tpu.memory_space<semaphore_mem>>)
      %dma_wait3A = arith.constant 0 : i32
      %dma_wait3A_40 = tpu.memref_slice %arg8[%arg0, %mul3A_0, %dma_wait3A] : memref<2x10240x8xf32, #tpu.memory_space<hbm>> -> memref<1x640x8xf32, #tpu.memory_space<hbm>>
      %dma_wait3A_41 = tpu.memref_squeeze %dma_wait3A_40 : memref<1x640x8xf32, #tpu.memory_space<hbm>> -> memref<640x8xf32, #tpu.memory_space<hbm>>
      %dma_wait3A_42 = arith.constant 0 : i32
      %dma_wait3A_43 = tpu.memref_slice %arg17[%mul3A_0, %dma_wait3A_42] : memref<10240x8xf32, #tpu.memory_space<vmem_shared>> -> memref<640x8xf32, #tpu.memory_space<vmem_shared>>
      tpu.wait_dma2 semaphore(%run_scoped3A_34 : memref<!tpu.dma_semaphore, #tpu.memory_space<semaphore_mem>>) src(%dma_wait3A_43 : memref<640x8xf32, #tpu.memory_space<vmem_shared>>) dst(%dma_wait3A_41 : memref<640x8xf32, #tpu.memory_space<hbm>>)
      tpu.yield
    }) : () -> ()
    return
  }
}

module attributes {stable_mosaic.version = 14 : i64} {
  func.func @_tc_body(%arg0: i32, %arg1: memref<2x1000x128xf32, #tpu.memory_space<vmem>>, %arg2: memref<2x1000x16xf32, #tpu.memory_space<vmem>>, %arg3: memref<2x128x256xf32, #tpu.memory_space<vmem>>, %arg4: memref<2x256xf32, #tpu.memory_space<vmem>>, %arg5: memref<2000x128xf32, #tpu.memory_space<vmem>>) attributes {dimension_semantics = [#tpu.dimension_semantics<arbitrary>], iteration_bounds = array<i64: 5>, scalar_prefetch = 0 : i64, scratch_operands = 0 : i64, tpu.core_type = #tpu.core_type<tc>, window_params = [{transform_indices = @transform_0, window_bounds = array<i64: 2, 1000, 128>}, {transform_indices = @transform_1, window_bounds = array<i64: 2, 1000, 16>}, {pipeline_mode = #tpu.pipeline_mode<synchronous>, transform_indices = @transform_2, window_bounds = array<i64: 2, 128, 256>}, {pipeline_mode = #tpu.pipeline_mode<synchronous>, transform_indices = @transform_3, window_bounds = array<i64: 2, 256>}, {transform_indices = @transform_4, window_bounds = array<i64: 2000, 128>}]} {
    %get3A = arith.constant 0 : index
    %get3A_0 = arith.constant 0 : index
    %get3A_1 = arith.constant 0 : index
    %get3A_2 = vector.load %arg2[%get3A, %get3A_0, %get3A_1] : memref<2x1000x16xf32, #tpu.memory_space<vmem>>, vector<1x1000x1xf32>
    %get3A_3 = vector.shape_cast %get3A_2 : vector<1x1000x1xf32> to vector<1000x1xf32>
    %get3A_4 = arith.constant 1 : index
    %get3A_5 = arith.constant 0 : index
    %get3A_6 = arith.constant 0 : index
    %get3A_7 = vector.load %arg2[%get3A_4, %get3A_5, %get3A_6] : memref<2x1000x16xf32, #tpu.memory_space<vmem>>, vector<1x1000x1xf32>
    %get3A_8 = vector.shape_cast %get3A_7 : vector<1x1000x1xf32> to vector<1000x1xf32>
    %add3A = arith.addf %get3A_3, %get3A_8 : vector<1000x1xf32>
    %get3A_9 = arith.constant 0 : index
    %get3A_10 = arith.constant 0 : index
    %get3A_11 = arith.constant 8 : index
    %get3A_12 = vector.load %arg2[%get3A_9, %get3A_10, %get3A_11] : memref<2x1000x16xf32, #tpu.memory_space<vmem>>, vector<1x1000x1xf32>
    %get3A_13 = vector.shape_cast %get3A_12 : vector<1x1000x1xf32> to vector<1000x1xf32>
    %get3A_14 = arith.constant 1 : index
    %get3A_15 = arith.constant 0 : index
    %get3A_16 = arith.constant 8 : index
    %get3A_17 = vector.load %arg2[%get3A_14, %get3A_15, %get3A_16] : memref<2x1000x16xf32, #tpu.memory_space<vmem>>, vector<1x1000x1xf32>
    %get3A_18 = vector.shape_cast %get3A_17 : vector<1x1000x1xf32> to vector<1000x1xf32>
    %add3A_19 = arith.addf %get3A_13, %get3A_18 : vector<1000x1xf32>
    %get3A_20 = arith.constant 0 : index
    %get3A_21 = arith.constant 0 : index
    %get3A_22 = arith.constant 0 : index
    %get3A_23 = vector.load %arg1[%get3A_20, %get3A_21, %get3A_22] : memref<2x1000x128xf32, #tpu.memory_space<vmem>>, vector<1x1000x128xf32>
    %get3A_24 = vector.shape_cast %get3A_23 : vector<1x1000x128xf32> to vector<1000x128xf32>
    %get3A_25 = arith.constant 0 : index
    %get3A_26 = arith.constant 0 : index
    %get3A_27 = arith.constant 0 : index
    %get3A_28 = vector.load %arg3[%get3A_25, %get3A_26, %get3A_27] : memref<2x128x256xf32, #tpu.memory_space<vmem>>, vector<1x128x256xf32>
    %get3A_29 = vector.shape_cast %get3A_28 : vector<1x128x256xf32> to vector<128x256xf32>
    %dot_general3A = arith.constant dense<0.000000e+00> : vector<1000x256xf32>
    %dot_general3A_30 = tpu.matmul %get3A_24, %get3A_29, %dot_general3A {dimension_numbers = #tpu.dot_dimension_numbers<[1], [0], [0], [1], [0, 0, 1, 1], [], []>, transpose_lhs_hint = false} : vector<1000x128xf32>, vector<128x256xf32>, vector<1000x256xf32> -> vector<1000x256xf32>
    %get3A_31 = arith.constant 1 : index
    %get3A_32 = arith.constant 0 : index
    %get3A_33 = arith.constant 0 : index
    %get3A_34 = vector.load %arg1[%get3A_31, %get3A_32, %get3A_33] : memref<2x1000x128xf32, #tpu.memory_space<vmem>>, vector<1x1000x128xf32>
    %get3A_35 = vector.shape_cast %get3A_34 : vector<1x1000x128xf32> to vector<1000x128xf32>
    %get3A_36 = arith.constant 1 : index
    %get3A_37 = arith.constant 0 : index
    %get3A_38 = arith.constant 0 : index
    %get3A_39 = vector.load %arg3[%get3A_36, %get3A_37, %get3A_38] : memref<2x128x256xf32, #tpu.memory_space<vmem>>, vector<1x128x256xf32>
    %get3A_40 = vector.shape_cast %get3A_39 : vector<1x128x256xf32> to vector<128x256xf32>
    %dot_general3A_41 = arith.constant dense<0.000000e+00> : vector<1000x256xf32>
    %dot_general3A_42 = tpu.matmul %get3A_35, %get3A_40, %dot_general3A_41 {dimension_numbers = #tpu.dot_dimension_numbers<[1], [0], [0], [1], [0, 0, 1, 1], [], []>, transpose_lhs_hint = false} : vector<1000x128xf32>, vector<128x256xf32>, vector<1000x256xf32> -> vector<1000x256xf32>
    %add3A_43 = arith.addf %dot_general3A_30, %dot_general3A_42 : vector<1000x256xf32>
    %get3A_44 = arith.constant 0 : index
    %get3A_45 = arith.constant 0 : index
    %get3A_46 = vector.load %arg4[%get3A_44, %get3A_45] : memref<2x256xf32, #tpu.memory_space<vmem>>, vector<1x256xf32>
    %mul3A = vector.broadcast %add3A : vector<1000x1xf32> to vector<1000x256xf32>
    %mul3A_47 = vector.broadcast %get3A_46 : vector<1x256xf32> to vector<1000x256xf32>
    %mul3A_48 = arith.mulf %mul3A, %mul3A_47 : vector<1000x256xf32>
    %add3A_49 = arith.addf %add3A_43, %mul3A_48 : vector<1000x256xf32>
    %get3A_50 = arith.constant 1 : index
    %get3A_51 = arith.constant 0 : index
    %get3A_52 = vector.load %arg4[%get3A_50, %get3A_51] : memref<2x256xf32, #tpu.memory_space<vmem>>, vector<1x256xf32>
    %mul3A_53 = vector.broadcast %add3A_19 : vector<1000x1xf32> to vector<1000x256xf32>
    %mul3A_54 = vector.broadcast %get3A_52 : vector<1x256xf32> to vector<1000x256xf32>
    %mul3A_55 = arith.mulf %mul3A_53, %mul3A_54 : vector<1000x256xf32>
    %add3A_56 = arith.addf %add3A_49, %mul3A_55 : vector<1000x256xf32>
    %reshape3A = vector.shape_cast %add3A_56 : vector<1000x256xf32> to vector<2000x128xf32>
    %swap3A = arith.constant 0 : index
    %swap3A_57 = arith.constant 0 : index
    %swap3A_58 = vector.load %arg5[%swap3A, %swap3A_57] : memref<2000x128xf32, #tpu.memory_space<vmem>>, vector<2000x128xf32>
    tpu.vector_store %arg5[%swap3A, %swap3A_57], %reshape3A {strides = array<i32>} : memref<2000x128xf32, #tpu.memory_space<vmem>>, vector<2000x128xf32>,
    return
  }
  func.func @transform_0(%arg0: i32) -> (i32, i32, i32) {
    %c0_i32 = arith.constant 0 : i32
    %c0_i32_0 = arith.constant 0 : i32
    %c0_i32_1 = arith.constant 0 : i32
    return %c0_i32, %arg0, %c0_i32_0 : i32, i32, i32
  }
  func.func @transform_1(%arg0: i32) -> (i32, i32, i32) {
    %c0_i32 = arith.constant 0 : i32
    %c0_i32_0 = arith.constant 0 : i32
    %c0_i32_1 = arith.constant 0 : i32
    return %c0_i32, %arg0, %c0_i32_0 : i32, i32, i32
  }
  func.func @transform_2(%arg0: i32) -> (i32, i32, i32) {
    %c0_i32 = arith.constant 0 : i32
    %c0_i32_0 = arith.constant 0 : i32
    %c0_i32_1 = arith.constant 0 : i32
    %c0_i32_2 = arith.constant 0 : i32
    return %c0_i32, %c0_i32_0, %c0_i32_1 : i32, i32, i32
  }
  func.func @transform_3(%arg0: i32) -> (i32, i32) {
    %c0_i32 = arith.constant 0 : i32
    %c0_i32_0 = arith.constant 0 : i32
    %c0_i32_1 = arith.constant 0 : i32
    return %c0_i32, %c0_i32_0 : i32, i32
  }
  func.func @transform_4(%arg0: i32) -> (i32, i32) {
    %c0_i32 = arith.constant 0 : i32
    %c0_i32_0 = arith.constant 0 : i32
    return %arg0, %c0_i32 : i32, i32
  }
}

</mosaic_0001>

<sc_bundles>
// kernel: kernel.4.cloned.1.call-start
scs
__scs_entry_jumppad:
0x0: {  	(pc) =	sbr.rel $0x88, $3  }
0x1: {  	(tag) =	ssettag $0x0;
	lr =	simm.s32 $0x1  }
0x2: {  	[smem:$0x3F9D] =	sst lr;
	_ =	strace $0xD0000000  }
0x3: {  	_ = 	snop  }
0x4: {  	_ = 	snop  }
0x5: {  	_ = 	snop  }
0x6: {  	_ = 	snop  }
0x7: {  	_ = 	snop  }
__scs_overlays_trampoline_lowered:
0x8: {  	[smem:$0x3FAC] =	sst s0  }
0x9: {  	[smem:$0x3FAD] =	sst s1  }
0xa: {  	[smem:$0x3FAE] =	sst s2  }
0xb: {  	[smem:$0x3FAF] =	sst s3  }
0xc: {  	[smem:$0x3FB0] =	sst s4  }
0xd: {  	[smem:$0x3FB1] =	sst s5  }
0xe: {  	[smem:$0x3FB2] =	sst s6  }
0xf: {  	[smem:$0x3FB3] =	sst s7  }
0x10: {  	[smem:$0x3FB4] =	sst s8  }
0x11: {  	[smem:$0x3FB5] =	sst s9;
	s0 =	simm.s32 @!p0 $0x0  }
0x12: {  	s1 =	sld [smem:$0x3F9B];
	s0 =	simm.s32 @p0 $0x1  }
0x13: {  	[smem:$0x3FB6] =	sst s0;
	s0 =	simm.s32 @!p1 $0x0  }
0x14: {  	s2 =	sld [smem:$0x3F9A];
	s0 =	simm.s32 @p1 $0x1  }
0x15: {  	[smem:$0x3FB7] =	sst s0;
	s0 =	simm.s32 @!p2 $0x0  }
0x16: {  	s3 =	sld [smem:$0x3FDB];
	s0 =	simm.s32 @p2 $0x1  }
0x17: {  	s4 =	simm.s32 $0x1BF5;
	[smem:$0x3FB9] =	sst s0  }
0x18: {  	s0 =	sld [smem:$0x3F9C];
	_ =	swait.ge [sflag:s4], $0x0  }
0x19: {  	s7 =	sld [smem:$0x3F9D]  }
0x1a: {  	s8 =	sadd.s32 $0xFFFFE003, lr  }
0x1b: {  	s9 =	sadd.s32 $0xFFFFFEF7, lr;
	s5 =	simm.s32 $0xFFFFFFFF;
	p2 =	slt.u32 s8, $0xFFFFF086  }
0x1c: {  	p1 =	slt.u32 s9, $0xF7A;
	s5 =	simm.s32 @!p2 $0x0  }
0x1d: {  	s5 =	simm.s32 @p1 $0x1;
	p0 =	seq.s32 s7, s2  }
0x1e: {  	s7 =	smul.u32 @!p0 $0xF7A, s2;
	p2 =	seq.s32 @!p0 s5, $0x0  }
0x1f: {  	s9 =	smul.u32 $0xF7A, s1;
	s8 =	simm.s32 @!p0 $0x1BF5;
	p2 =	por !p2, p0  }
0x20: {  	[sflag:s8] =	ssyncset.s32 @!p0 $0xFFFFF086;
	s6 =	sadd.s32 @!p0 s3, s7;
	s7 =	simm.s32 @!p0 $0x108  }
0x21: {  	s3 =	sadd.s32 s3, s9;
	s6 =	sadd.s32 @!p0 $0x88, s6;
	s7 =	simm.s32 @p2 $0x1082  }
0x22: {  	[simem:s7], [sflag:s8] =	dma.local @!p0 [hbm:s6], $0xF7A  }
0x23: {  	s9 =	sor.u32 $0xD0000000, s2;
	s6 =	simm.s32 $0x108;
	_ =	swait.ge @!p0 [sflag:s8], $0x0  }
0x24: {  	s3 =	sadd.s32 $0x88, s3;
	s6 =	simm.s32 @!p1 $0x1082;
	[sflag:s4] =	ssyncset.s32 $0xFFFFF086  }
0x25: {  	[simem:s6], [sflag:s4] =	dma.local [hbm:s3], $0xF7A  }
0x26: {  	[smem:$0x3F9D] =	sst s1;
	(tag) =	ssettag s2;
	_ =	strace s9  }
0x27: {  	s1 =	sld [smem:$0x3FAD]  }
0x28: {  	s2 =	sld [smem:$0x3FAE]  }
0x29: {  	s4 =	sld [smem:$0x3FB0]  }
0x2a: {  	p0 =	seq.s32 s5, $0x0;
	s5 =	sld [smem:$0x3FB1]  }
0x2b: {  	s6 =	sld [smem:$0x3FB2]  }
0x2c: {  	s7 =	sld [smem:$0x3FB3]  }
0x2d: {  	s3 =	simm.s32 $0x108;
	s8 =	sld [smem:$0x3FB4]  }
0x2e: {  	s3 =	simm.s32 @!p0 $0x1082;
	s9 =	sld [smem:$0x3FB5]  }
0x2f: {  	lr =	sadd.s32 s0, s3;
	s0 =	sld [smem:$0x3FAC]  }
0x30: {  	s3 =	sld [smem:$0x3FAF]  }
0x31: {  	[smem:$0x3FB8] =	sst s10  }
0x32: {  	s10 =	sld [smem:$0x3FB6];
	_ =	sdelay $0x3  }
0x33: {  	p0 =	seq.s32 s10, $0x1;
	s10 =	sld [smem:$0x3FB8];
	_ =	sdelay $0x3  }
0x34: {  	[smem:$0x3FB8] =	sst s10  }
0x35: {  	s10 =	sld [smem:$0x3FB7];
	_ =	sdelay $0x3  }
0x36: {  	p1 =	seq.s32 s10, $0x1;
	s10 =	sld [smem:$0x3FB8];
	_ =	sdelay $0x3  }
0x37: {  	[smem:$0x3FB8] =	sst s10  }
0x38: {  	s10 =	sld [smem:$0x3FB9]  }
0x39: {  	_ = 	snop;
	(pc) =	sbr.ind lr, $3  }
0x3a: {  	_ = 	snop  }
0x3b: {  	_ = 	snop  }
0x3c: {  	p2 =	seq.s32 s10, $0x1;
	s10 =	sld [smem:$0x3FB8]  }
0x3d: {  	_ =	shalt  }
0x3e: {  	_ =	shalt  }
0x3f: {  	_ =	shalt  }
0x40: {  	_ =	shalt  }
0x41: {  	_ =	shalt  }
0x42: {  	_ =	shalt  }
0x43: {  	_ =	shalt  }
0x44: {  	_ =	shalt  }
0x45: {  	_ =	shalt  }
0x46: {  	_ =	shalt  }
0x47: {  	_ =	shalt  }
0x48: {  	_ =	shalt  }
0x49: {  	_ =	shalt  }
0x4a: {  	_ =	shalt  }
0x4b: {  	_ =	shalt  }
0x4c: {  	_ =	shalt  }
0x4d: {  	_ =	shalt  }
0x4e: {  	_ =	shalt  }
0x4f: {  	_ =	shalt  }
0x50: {  	_ =	shalt  }
0x51: {  	_ =	shalt  }
0x52: {  	_ =	shalt  }
0x53: {  	_ =	shalt  }
0x54: {  	_ =	shalt  }
0x55: {  	_ =	shalt  }
0x56: {  	_ =	shalt  }
0x57: {  	_ =	shalt  }
0x58: {  	_ =	shalt  }
0x59: {  	_ =	shalt  }
0x5a: {  	_ =	shalt  }
0x5b: {  	_ =	shalt  }
0x5c: {  	_ =	shalt  }
0x5d: {  	_ =	shalt  }
0x5e: {  	_ =	shalt  }
0x5f: {  	_ =	shalt  }
0x60: {  	_ =	shalt  }
0x61: {  	_ =	shalt  }
0x62: {  	_ =	shalt  }
0x63: {  	_ =	shalt  }
0x64: {  	_ =	shalt  }
0x65: {  	_ =	shalt  }
0x66: {  	_ =	shalt  }
0x67: {  	_ =	shalt  }
0x68: {  	_ =	shalt  }
0x69: {  	_ =	shalt  }
0x6a: {  	_ =	shalt  }
0x6b: {  	_ =	shalt  }
0x6c: {  	_ =	shalt  }
0x6d: {  	_ =	shalt  }
0x6e: {  	_ =	shalt  }
0x6f: {  	_ =	shalt  }
0x70: {  	_ =	shalt  }
0x71: {  	_ =	shalt  }
0x72: {  	_ =	shalt  }
0x73: {  	_ =	shalt  }
0x74: {  	_ =	shalt  }
0x75: {  	_ =	shalt  }
0x76: {  	_ =	shalt  }
0x77: {  	_ =	shalt  }
0x78: {  	_ =	shalt  }
0x79: {  	_ =	shalt  }
0x7a: {  	_ =	shalt  }
0x7b: {  	_ =	shalt  }
0x7c: {  	_ =	shalt  }
0x7d: {  	_ =	shalt  }
0x7e: {  	_ =	shalt  }
0x7f: {  	_ =	shalt  }
0x80: {  	_ =	shalt  }
0x81: {  	_ =	shalt  }
0x82: {  	_ =	shalt  }
0x83: {  	_ =	shalt  }
0x84: {  	_ =	shalt  }
0x85: {  	_ =	shalt  }
0x86: {  	_ =	shalt  }
0x87: {  	_ =	shalt  }
.Lfunc_end0:
.L_simem_size_0:
called_computation_lowered:
.L_overlay_start_0:
0x88: {  	s2 =	sld [smem:$0x3FD9]  }
0x89: {  	s3 =	sld [smem:$0x3FFE];
	_ =	sdelay $0x1  }
0x8a: {  	s1 =	srdreg.scid  }
0x8b: {  	s0 =	sand.u32 $0x1, s1  }
0x8c: {  	s17 =	sshll.u32 s0, $0xA;
	s2 =	sadd.s32 s3, s2  }
0x8d: {  	s2 =	sadd.s32 s2, s17  }
0x8e: {  	[smem:$0x3FC4] =	sst s2  }
0x8f: {  	_ = 	snop  }
0x90: {  	s2 =	sld [smem:$0x3FC8]  }
0x91: {  	s18 =	sld [smem:$0x3FD0];
	(tm) =	ssettm $0x1  }
0x92: {  	s4 =	sld [smem:$0x3FFB];
	_ =	sdelay $0x3  }
0x93: {  	_ =	strace s4  }
0x94: {  	s4 =	sld [smem:$0x3FFC];
	_ =	sdelay $0x3  }
0x95: {  	_ =	strace s4  }
0x96: {  	s4 =	sld [smem:$0x3FFD];
	_ =	sdelay $0x3  }
0x97: {  	_ =	strace s4  }
0x98: {  	_ =	strace $0x8FFFFFFF  }
0x99: {  	s19 =	sld [smem:$0x3FDB];
	_ =	sdelay $0x1  }
0x9a: {  	s5 =	simm.s32 $_scs_section_size  }
0x9b: {  	s6 =	simm.s32 $_size__tile_overlayer_lowered;
	s7 =	simm.s32 $_tile_overlayer_lowered  }
0x9c: {  	s22 =	simm.s32 $0x1BFF;
	s21 =	sshll.u32 s7, $0x1;
	s4 =	sadd.s32 s5, s19  }
0x9d: {  	s8 =	simm.s32 $0x0;
	s20 =	sshll.u32 s6, $0x1;
	s6 =	sadd.s32 s21, s4  }
0x9e: {  	[timem:s8], [sflag:s22] =	dma.local [hbm:s6], s20  }
0x9f: {  	_ =	swait.ge [sflag:s22], s20  }
0xa0: {  	s5 =	ssub.s32 $0x0, s20;
	[sflag:s22] =	ssyncset.done $0x0  }
0xa1: {  	[sflag:s22] =	ssyncadd.s32 s5;
	_ =	sdelay $0x1  }
0xa2: {  	s23 =	simm.s32 $0x1B8B  }
0xa3: {  	_ =	swait.ge [sflag:s23], $0x1  }
0xa4: {  	[sflag:s23] =	ssyncset.done $0x0  }
0xa5: {  	s25 =	simm.s32 $0x1B8E;
	s24 =	sld [smem:$0x3FFE];
	[sflag:s23] =	ssyncadd.s32 $0xFFFFFFFF  }
0xa6: {  	s26 =	simm.s32 $execute0_lowered;
	[smem:$0x3FD2] =	sst s25  }
0xa7: {  	s6 =	sshll.u32 s26, $0x1;
	_ =	strace $0x80000046;
	[dreg:$0x1] =	wrdreg $0xFFFFFFFF  }
0xa8: {  	s28 =	simm.s32 $_size_execute0_lowered;
	s4 =	sadd.s32 s4, s6;
	[dreg:$0x0] =	wrdreg $0x0  }
0xa9: {  	s6 =	sshll.u32 s28, $0x1;
	[dreg:$0x2] =	wrdreg s4  }
0xaa: {  	[dreg:$0x3] =	wrdreg s6  }
0xab: {  	[dreg:$0x4] =	wrdreg $0xC0  }
0xac: {  	_ =	task [dreg:s8], $0x5FFFF  }
0xad: {  	[dreg:$0x1] =	wrdreg $0xFFFFFFFF  }
0xae: {  	[dreg:$0x0] =	wrdreg $0x60  }
0xaf: {  	[dreg:$0x2] =	wrdreg s18  }
0xb0: {  	[dreg:$0x3] =	wrdreg s2  }
0xb1: {  	[dreg:$0x4] =	wrdreg s24  }
0xb2: {  	[dreg:$0x5] =	wrdreg $0x120E80  }
0xb3: {  	[dreg:$0x6] =	wrdreg $0x1C0E80  }
0xb4: {  	[dreg:$0x7] =	wrdreg $0x9  }
0xb5: {  	_ =	task.clear_ibuf [dreg:s8], $0x8FFFF;
	_ =	strace $0x90000046  }
0xb6: {  	s29 =	simm.s32 $0x9;
	_ =	strace $0x80000048  }
0xb7: {  	_ =	swait.ge [sflag:s29], $0x1  }
0xb8: {  	[sflag:s29] =	ssyncadd.s32 $0xFFFFFFFF  }
0xb9: {  	_ =	strace $0x90000048  }
0xba: {  	_ =	sfence  }
0xbb: {  	s30 =	sld [smem:$0x0];
	_ =	sdelay $0x2  }
0xbc: {  	s31 =	sshll.u32 s1, $0xD;
	s1 =	sshrl.u32 s1, $0x2  }
0xbd: {  	s3 =	sand.u32 $0x4000, s31;
	s1 =	sadd.s32 s1, s30  }
0xbe: {  	s0 =	sor.u32 s3, s0;
	s1 =	sshll.u32 s1, $0x11  }
0xbf: {  	s0 =	sor.u32 s1, s0  }
0xc0: {  	s0 =	sadd.s32 $0x8F2B, s0  }
0xc1: {  	[sflag:s0] =	ssyncadd.remote.s32 $0x1  }
0xc2: {  	_ =	sfence.sel $0xFFFF  }
0xc3: {  	[dreg:$0x0] =	wrdreg $0xFFFFFFFF;
	(pc) =	sbr.abs _section_cstart, $3  }
0xc4: {  	[dreg:$0x1] =	wrdreg $0xFFFFFFFF  }
0xc5: {  	_ =	task.clear_ibuf [dreg:s8], $0x2FFFF;
	_ =	strace $0x9FFFFFFF  }
0xc6: {  	(tm) =	ssettm $0x7FFFFFFF  }
0xc7: {  	_ =	shalt  }
tec
execute0_lowered:
.L_overlay_start_1:
0x0: {  	(tag) =	ssettag $0x1  }
0x1: {  	s0 =	rddreg [dreg:$0x0]  }
0x2: {  	s1 =	rddreg [dreg:$0x1]  }
0x3: {  	s2 =	rddreg [dreg:$0x2]  }
0x4: {  	s3 =	rddreg [dreg:$0x3]  }
0x5: {  	s4 =	rddreg [dreg:$0x4];
	s6 =	srdreg.scid  }
0x6: {  	s8 =	stileid.u32;
	s5 =	simm.s32 $0x0;
	s28 =	simm.s32 $0xFDC0  }
0x7: {  	s29 =	simm.s32 $0x2;
	s30 =	simm.s32 $0x3;
	s31 =	simm.s32 $0x4  }
0x8: {  	s6 =	sand.u32 $0x1, s6;
	s9 =	smul.u32 $0xA000, s8;
	[smem:$0x7FF] =	sst s5  }
0x9: {  	s11 =	smul.u32 $0x1400, s8;
	s10 =	sadd.s32 $0x1A00, s2;
	s19 =	sadd.s32 $0x1600, s2  }
0xa: {  	s14 =	smul.u32 $0x5000, s8;
	_ =	strace $0x80000047;
	[dreg:$0x6] =	wrdreg s10  }
0xb: {  	s20 =	sadd.s32 $0x1400, s2;
	s7 =	smul.u32 $0xA0000, s6;
	[dreg:$0x7] =	wrdreg s19  }
0xc: {  	s24 =	sshll.u32 s8, $0x6;
	s12 =	smul.u32 $0x14000, s6;
	[dreg:$0x8] =	wrdreg s20  }
0xd: {  	s13 =	ssub.s32 $0x2, s6;
	p0 =	seq.s32 s6, $0x1;
	s20 =	simm.s32 $0x7D  }
0xe: {  	s22 =	sshrl.u32 s13, $0x1;
	s23 =	sshrl.u32 s14, $0x3;
	s17 =	sadd.s32 s9, s3  }
0xf: {  	s25 =	sadd.s32 s11, s4;
	p1 =	por !p0, !p0;
	s18 =	sadd.s32 s9, s7  }
0x10: {  	s12 =	sadd.s32 s11, s12;
	s16 =	ssub.s32 s13, s22;
	s9 =	sadd.s32 s0, s23  }
0x11: {  	s23 =	simm.s32 $0xBF40;
	s10 =	sshrl.u32 s18, $0x3;
	s21 =	sshrl.u32 s12, $0x3  }
0x12: {  	s26 =	sadd.s32 $0xA000, s9;
	s14 =	smax.u32 s16, $0x1;
	s16 =	simm.s32 $0x5  }
0x13: {  	s18 =	simm.s32 $0x0;
	s15 =	sadd.s32 s10, s2;
	s2 =	sadd.s32 s21, s2  }
0x14: {  	s10 =	sor.u32 $0x1C05, s24;
	[dreg:$0x9] =	wrdreg s26;
	s21 =	simm.s32 $0xA000  }
0x15: {  	s26 =	simm.s32 $0x1;
	s12 =	sadd.s32 $0x7E00, s15;
	s13 =	sadd.s32 $0x2E00, s2  }
0x16: {  	vm0 =	vmmov $0x7;
	v0 =	vmov s6;
	s15 =	sshrl.u32 s17, $0x3;
	s17 =	sshrl.u32 s25, $0x3;
	s25 =	simm.s32 $0xDE80  }
.LBB2_1:
0x17: {  	s0 =	rddreg [dreg:$0x6]  }
0x18: {  	[spmem:s15], [sflag:s10] =	dma.local [hbm:s0], $0x1400  }
0x19: {  	_ =	swait.ge [sflag:s16], $0x1400  }
0x1a: {  	[sflag:s16] =	ssyncset.done $0x0  }
0x1b: {  	s11 =	rddreg [dreg:$0x7];
	[sflag:s16] =	ssyncadd.s32 $0xFFFFEC00  }
0x1c: {  	[spmem:s17], [sflag:s10] =	dma.local [hbm:s11], $0x280  }
0x1d: {  	_ =	swait.ge [sflag:s16], $0x280  }
0x1e: {  	[sflag:s16] =	ssyncset.done $0x0  }
0x1f: {  	s2 =	simm.s32 $0x11D00;
	s19 =	rddreg [dreg:$0x8];
	[sflag:s16] =	ssyncadd.s32 $0xFFFFFD80  }
0x20: {  	[tilespmem:s2], [sflag:$0x5] =	stream.linear.gather [hbm4b:s19+s5], $0x3E8, $0x38;
	[tilespmem:$0x1D4E8] =	vst v63  }
0x21: {  	_ =	swait.ge [sflag:s16], $0x3E8  }
0x22: {  	[sflag:s16] =	ssyncset.done $0x0  }
0x23: {  	[sflag:s16] =	ssyncadd.s32 $0xFFFFFC18  }
0x24: {  	[tilespmem:s5], [sflag:$0x5] =	stream.linear.gather [hbm4b:s9+s5], $0x5000, $0x38;
	[tilespmem:$0x1D4E8] =	vst v63  }
0x25: {  	_ =	swait.ge [sflag:s16], $0x5000  }
0x26: {  	[sflag:s16] =	ssyncset.done $0x0  }
0x27: {  	s24 =	simm.s32 $0x5000;
	s22 =	rddreg [dreg:$0x9];
	[sflag:s16] =	ssyncadd.s32 $0xFFFFB000  }
0x28: {  	[tilespmem:s24], [sflag:$0x5] =	stream.linear.gather [hbm4b:s22+s5], $0x5000, $0x38;
	[tilespmem:$0x1D4E8] =	vst v63  }
0x29: {  	_ =	swait.ge [sflag:s16], $0x5000  }
0x2a: {  	[sflag:s16] =	ssyncset.done $0x0  }
0x2b: {  	s0 =	simm.s32 $0x0;
	[sflag:s16] =	ssyncadd.s32 $0xFFFFB000  }
0x2c: {  	v1 =	vld [tilespmem:s0+$0x60];
	_ =	sdelay $0x1  }
0x2d: {  	v2 =	vld [tilespmem:s0+$0x0]  }
0x2e: {  	v3 =	vld [tilespmem:s0+$0x10]  }
0x2f: {  	v4 =	vld [tilespmem:s0+$0x20]  }
0x30: {  	v5 =	vld [tilespmem:s0+$0x30];
	v1 =	vshll.u32 v1, $0x1  }
0x31: {  	v6 =	vld [tilespmem:s0+$0x40];
	v1 =	vor.u32 v0, v1  }
0x32: {  	v7 =	vld [tilespmem:s0+$0x50];
	v2 =	vshll.u32 v2, $0x1;
	[tilespmem:s0+$0x60] =	vst v1  }
0x33: {  	v2 =	vor.u32 v0, v2;
	v1 =	vld [tilespmem:s0+$0x6D]  }
0x34: {  	[tilespmem:s0+$0x0] =	vst v2;
	v2 =	vshll.u32 v3, $0x1  }
0x35: {  	v3 =	vshll.u32 v4, $0x1;
	v2 =	vor.u32 v0, v2  }
0x36: {  	[tilespmem:s0+$0x10] =	vst v2;
	v2 =	vor.u32 v0, v3;
	v3 =	vshll.u32 v5, $0x1  }
0x37: {  	[tilespmem:s0+$0x20] =	vst v2;
	v2 =	vor.u32 v0, v3;
	v3 =	vshll.u32 v6, $0x1  }
0x38: {  	[tilespmem:s0+$0x30] =	vst v2;
	v2 =	vor.u32 v0, v3;
	v3 =	vshll.u32 v7, $0x1;
	v63 =	vshll.u32 v1, $0x1  }
0x39: {  	[tilespmem:s0+$0x40] =	vst v2;
	v2 =	vor.u32 v0, v3;
	v3 =	vor.u32 v0, v63  }
0x3a: {  	s6 =	simm.s32 $0x400;
	s2 =	simm.s32 $0x200;
	[tilespmem:s0+$0x50] =	vst v2;
	v1 =	vsel vm0, v1, v3  }
.LBB2_2:
0x3b: {  	p2 =	sne.s32 s6, $0x13E00  }
0x3c: {  	[tilespmem:s0+$0x6D] =	vst v1;
	s0 =	sshra.s32 s2, $0x2;
	s2 =	smov.u32 s6;
	s6 =	sadd.s32 $0x200, s6  }
0x3d: {  	v1 =	vld [tilespmem:s0+$0x60]  }
0x3e: {  	v2 =	vld [tilespmem:s0+$0x0]  }
0x3f: {  	v3 =	vld [tilespmem:s0+$0x10]  }
0x40: {  	v4 =	vld [tilespmem:s0+$0x20]  }
0x41: {  	v5 =	vld [tilespmem:s0+$0x30]  }
0x42: {  	v6 =	vld [tilespmem:s0+$0x40];
	v1 =	vshll.u32 v1, $0x1  }
0x43: {  	v2 =	vshll.u32 v2, $0x1;
	v7 =	vld [tilespmem:s0+$0x50];
	v1 =	vor.u32 v0, v1  }
0x44: {  	v2 =	vor.u32 v0, v2;
	v3 =	vshll.u32 v3, $0x1;
	[tilespmem:s0+$0x60] =	vst v1  }
0x45: {  	[tilespmem:s0+$0x0] =	vst v2;
	v1 =	vor.u32 v0, v3;
	v2 =	vshll.u32 v4, $0x1;
	v3 =	vld [tilespmem:s0+$0x6D]  }
0x46: {  	[tilespmem:s0+$0x10] =	vst v1;
	v1 =	vor.u32 v0, v2;
	v2 =	vshll.u32 v5, $0x1  }
0x47: {  	[tilespmem:s0+$0x20] =	vst v1;
	v1 =	vor.u32 v0, v2;
	v2 =	vshll.u32 v6, $0x1  }
.Ltmp0:
0x48: {  	[tilespmem:s0+$0x30] =	vst v1;
	v1 =	vor.u32 v0, v2;
	v2 =	vshll.u32 v7, $0x1;
	(pc) =	sbr.rel @p2 .LBB2_2-.Ltmp0, $4  }
0x49: {  	[tilespmem:s0+$0x40] =	vst v1;
	v1 =	vor.u32 v0, v2  }
0x4a: {  	[tilespmem:s0+$0x50] =	vst v1;
	v1 =	vshll.u32 v3, $0x1  }
0x4b: {  	v1 =	vor.u32 v0, v1  }
0x4c: {  	v1 =	vsel vm0, v3, v1  }
0x4d: {  	s2 =	sshra.s32 s2, $0x2;
	[tilespmem:s0+$0x6D] =	vst v1  }
0x4e: {  	v1 =	vld [tilespmem:s2+$0x60];
	_ =	sdelay $0x1  }
0x4f: {  	v2 =	vld [tilespmem:s2+$0x0]  }
0x50: {  	v3 =	vld [tilespmem:s2+$0x10]  }
0x51: {  	v4 =	vld [tilespmem:s2+$0x20]  }
0x52: {  	v5 =	vld [tilespmem:s2+$0x30];
	v1 =	vshll.u32 v1, $0x1  }
0x53: {  	v6 =	vld [tilespmem:s2+$0x40];
	v1 =	vor.u32 v0, v1  }
0x54: {  	v7 =	vld [tilespmem:s2+$0x50];
	[tilespmem:s2+$0x60] =	vst v1  }
0x55: {  	v1 =	vshll.u32 v2, $0x1;
	v2 =	vld [tilespmem:s2+$0x6D]  }
0x56: {  	v3 =	vshll.u32 v3, $0x1;
	v1 =	vor.u32 v0, v1  }
0x57: {  	[tilespmem:s2+$0x0] =	vst v1;
	v1 =	vor.u32 v0, v3;
	v3 =	vshll.u32 v4, $0x1  }
0x58: {  	[tilespmem:s2+$0x10] =	vst v1;
	v1 =	vor.u32 v0, v3;
	v3 =	vshll.u32 v5, $0x1  }
0x59: {  	[tilespmem:s2+$0x20] =	vst v1;
	v1 =	vor.u32 v0, v3;
	v3 =	vshll.u32 v6, $0x1  }
0x5a: {  	[tilespmem:s2+$0x30] =	vst v1;
	v1 =	vor.u32 v0, v3;
	v3 =	vshll.u32 v7, $0x1;
	v63 =	vshll.u32 v2, $0x1  }
0x5b: {  	[tilespmem:s2+$0x40] =	vst v1;
	v1 =	vor.u32 v0, v3;
	v3 =	vor.u32 v0, v63  }
0x5c: {  	[tilespmem:s2+$0x50] =	vst v1;
	v1 =	vsel vm0, v2, v3  }
0x5d: {  	[tilespmem:s2+$0x6D] =	vst v1  }
0x5e: {  	s19 =	simm.s32 $0x0;
	[bflag:$0x0] =	sbarrier.arrive $0xFFFF  }
0x5f: {  	[tilespmem:s21], [sflag:$0x1] =	stream.indirect.gather [hbm4b:s1+s20], $0x40, s19, s20, $0xb8;
	[tilespmem:$0x1D4E8] =	vst v63  }
0x60: {  	s6 =	simm.s32 $0x80  }
0x61: {  	[tilespmem:s23], [sflag:$0x2] =	stream.indirect.gather [hbm4b:s1+s20], $0x40, s6, s20, $0xb8;
	[tilespmem:$0x1D4E8] =	vst v63  }
0x62: {  	s7 =	simm.s32 $0x100  }
0x63: {  	[tilespmem:s25], [sflag:$0x3] =	stream.indirect.gather [hbm4b:s1+s20], $0x40, s7, s20, $0xb8;
	[tilespmem:$0x1D4E8] =	vst v63  }
0x64: {  	_ =	swait.ge [sflag:s26], $0x1F40  }
0x65: {  	s0 =	simm.s32 $0x5000;
	[sflag:s26] =	ssyncset.done $0x0  }
0x66: {  	p3 =	por $0x1, $0x1;
	p2 =	por p1, p1;
	[sflag:s26] =	ssyncadd.s32 $0xFFFFE0C0  }
0x67: {  	[spmem:s3] =	stream.indirect.scatter.add.f32 [tilespmem:s21], [sflag:$0x5], $0x40, s0, s20, $0xb8;
	[tilespmem:$0x1D4E8] =	vst v63  }
0x68: {  	p2 =	por @!p3 p0, p0;
	_ =	swait.ge [sflag:s16], $0x1F40  }
0x69: {  	s22 =	simm.s32 @p2 $0x5;
	[sflag:s16] =	ssyncset.done $0x0  }
0x6a: {  	s2 =	simm.s32 @p2 $0x7D;
	s6 =	simm.s32 @p2 $0x11D00;
	[sflag:s16] =	ssyncadd.s32 $0xFFFFE0C0  }
0x6b: {  	[spmem:s4] =	stream.indirect.scatter.add.f32 @p2 [tilespmem:s6], [sflag:$0x5], $0x8, s0, s2, $0xb8;
	[tilespmem:$0x1D4E8] =	vst v63  }
0x6c: {  	_ =	swait.ge @p2 [sflag:s22], $0x3E8  }
0x6d: {  	[sflag:s22] =	ssyncset.done @p2 $0x0  }
0x6e: {  	s8 =	simm.s32 $0x180;
	[sflag:s22] =	ssyncadd.s32 @p2 $0xFFFFFC18  }
0x6f: {  	[tilespmem:s28], [sflag:$0x4] =	stream.indirect.gather [hbm4b:s1+s20], $0x40, s8, s20, $0xb8;
	[tilespmem:$0x1D4E8] =	vst v63  }
0x70: {  	_ =	swait.ge [sflag:s29], $0x1F40  }
0x71: {  	[sflag:s29] =	ssyncset.done $0x0  }
0x72: {  	s0 =	simm.s32 $0x5080;
	[sflag:s29] =	ssyncadd.s32 $0xFFFFE0C0  }
0x73: {  	[spmem:s3] =	stream.indirect.scatter.add.f32 [tilespmem:s23], [sflag:$0x5], $0x40, s0, s20, $0xb8;
	[tilespmem:$0x1D4E8] =	vst v63  }
0x74: {  	_ =	swait.ge [sflag:s16], $0x1F40  }
0x75: {  	[sflag:s16] =	ssyncset.done $0x0  }
0x76: {  	[sflag:s16] =	ssyncadd.s32 $0xFFFFE0C0  }
0x77: {  	[spmem:s4] =	stream.indirect.scatter.add.f32 @p2 [tilespmem:s6], [sflag:$0x5], $0x8, s0, s2, $0xb8;
	[tilespmem:$0x1D4E8] =	vst v63  }
0x78: {  	_ =	swait.ge @p2 [sflag:s22], $0x3E8  }
0x79: {  	[sflag:s22] =	ssyncset.done @p2 $0x0  }
0x7a: {  	s11 =	simm.s32 $0x200;
	[sflag:s22] =	ssyncadd.s32 @p2 $0xFFFFFC18  }
0x7b: {  	[tilespmem:s21], [sflag:$0x1] =	stream.indirect.gather [hbm4b:s1+s20], $0x40, s11, s20, $0xb8;
	[tilespmem:$0x1D4E8] =	vst v63  }
0x7c: {  	_ =	swait.ge [sflag:s30], $0x1F40  }
0x7d: {  	[sflag:s30] =	ssyncset.done $0x0  }
0x7e: {  	s0 =	simm.s32 $0x5100;
	[sflag:s30] =	ssyncadd.s32 $0xFFFFE0C0  }
0x7f: {  	[spmem:s3] =	stream.indirect.scatter.add.f32 [tilespmem:s25], [sflag:$0x5], $0x40, s0, s20, $0xb8;
	[tilespmem:$0x1D4E8] =	vst v63  }
0x80: {  	_ =	swait.ge [sflag:s16], $0x1F40  }
0x81: {  	[sflag:s16] =	ssyncset.done $0x0  }
0x82: {  	[sflag:s16] =	ssyncadd.s32 $0xFFFFE0C0  }
0x83: {  	[spmem:s4] =	stream.indirect.scatter.add.f32 @p2 [tilespmem:s6], [sflag:$0x5], $0x8, s0, s2, $0xb8;
	[tilespmem:$0x1D4E8] =	vst v63  }
0x84: {  	_ =	swait.ge @p2 [sflag:s22], $0x3E8  }
0x85: {  	[sflag:s22] =	ssyncset.done @p2 $0x0  }
0x86: {  	s24 =	simm.s32 $0x280;
	[sflag:s22] =	ssyncadd.s32 @p2 $0xFFFFFC18  }
0x87: {  	[tilespmem:s23], [sflag:$0x2] =	stream.indirect.gather [hbm4b:s1+s20], $0x40, s24, s20, $0xb8;
	[tilespmem:$0x1D4E8] =	vst v63  }
0x88: {  	_ =	swait.ge [sflag:s31], $0x1F40  }
0x89: {  	[sflag:s31] =	ssyncset.done $0x0  }
0x8a: {  	s0 =	simm.s32 $0x5180;
	[sflag:s31] =	ssyncadd.s32 $0xFFFFE0C0  }
0x8b: {  	[spmem:s3] =	stream.indirect.scatter.add.f32 [tilespmem:s28], [sflag:$0x5], $0x40, s0, s20, $0xb8;
	[tilespmem:$0x1D4E8] =	vst v63  }
0x8c: {  	_ =	swait.ge [sflag:s16], $0x1F40  }
0x8d: {  	[sflag:s16] =	ssyncset.done $0x0  }
0x8e: {  	[sflag:s16] =	ssyncadd.s32 $0xFFFFE0C0  }
0x8f: {  	[spmem:s4] =	stream.indirect.scatter.add.f32 @p2 [tilespmem:s6], [sflag:$0x5], $0x8, s0, s2, $0xb8;
	[tilespmem:$0x1D4E8] =	vst v63  }
0x90: {  	_ =	swait.ge @p2 [sflag:s22], $0x3E8  }
0x91: {  	s24 =	simm.s32 $0x800;
	s0 =	simm.s32 $0x300;
	[sflag:s22] =	ssyncset.done @p2 $0x0  }
.LBB2_4:
0x92: {  	[sflag:s22] =	ssyncadd.s32 @p2 $0xFFFFFC18  }
0x93: {  	s19 =	sadd.s32 $0x1, s19;
	s2 =	smov.u32 s24;
	s24 =	sadd.s32 $0x800, s24  }
0x94: {  	[tilespmem:s25], [sflag:$0x3] =	stream.indirect.gather [hbm4b:s1+s20], $0x40, s0, s20, $0xb8;
	[tilespmem:$0x1D4E8] =	vst v63  }
0x95: {  	s0 =	sshra.s32 s2, $0x2;
	p3 =	sne.s32 s24, $0x13800;
	_ =	swait.ge [sflag:s26], $0x1F40  }
0x96: {  	s7 =	sadd.s32 $0x5000, s0;
	[sflag:s26] =	ssyncset.done $0x0  }
0x97: {  	p2 =	por p1, p1;
	p4 =	slt.u32 s19, $0x14;
	[sflag:s26] =	ssyncadd.s32 $0xFFFFE0C0  }
0x98: {  	[spmem:s3] =	stream.indirect.scatter.add.f32 [tilespmem:s21], [sflag:$0x5], $0x40, s7, s20, $0xb8;
	[tilespmem:$0x1D4E8] =	vst v63  }
0x99: {  	p2 =	por @!p4 p0, p0;
	_ =	swait.ge [sflag:s16], $0x1F40  }
0x9a: {  	s2 =	simm.s32 @p2 $0x7D;
	s6 =	simm.s32 @p2 $0x11D00;
	[sflag:s16] =	ssyncset.done $0x0  }
0x9b: {  	s22 =	simm.s32 @p2 $0x5;
	[sflag:s16] =	ssyncadd.s32 $0xFFFFE0C0  }
0x9c: {  	[spmem:s4] =	stream.indirect.scatter.add.f32 @p2 [tilespmem:s6], [sflag:$0x5], $0x8, s7, s2, $0xb8;
	[tilespmem:$0x1D4E8] =	vst v63  }
0x9d: {  	_ =	swait.ge @p2 [sflag:s22], $0x3E8  }
0x9e: {  	s7 =	sadd.s32 $0x180, s0;
	[sflag:s22] =	ssyncset.done @p2 $0x0  }
0x9f: {  	[sflag:s22] =	ssyncadd.s32 @p2 $0xFFFFFC18  }
0xa0: {  	[tilespmem:s28], [sflag:$0x4] =	stream.indirect.gather [hbm4b:s1+s20], $0x40, s7, s20, $0xb8;
	[tilespmem:$0x1D4E8] =	vst v63  }
0xa1: {  	_ =	swait.ge [sflag:s29], $0x1F40  }
0xa2: {  	s7 =	sadd.s32 $0x5080, s0;
	[sflag:s29] =	ssyncset.done $0x0  }
0xa3: {  	[sflag:s29] =	ssyncadd.s32 $0xFFFFE0C0  }
0xa4: {  	[spmem:s3] =	stream.indirect.scatter.add.f32 [tilespmem:s23], [sflag:$0x5], $0x40, s7, s20, $0xb8;
	[tilespmem:$0x1D4E8] =	vst v63  }
0xa5: {  	_ =	swait.ge [sflag:s16], $0x1F40  }
0xa6: {  	[sflag:s16] =	ssyncset.done $0x0  }
0xa7: {  	[sflag:s16] =	ssyncadd.s32 $0xFFFFE0C0  }
0xa8: {  	[spmem:s4] =	stream.indirect.scatter.add.f32 @p2 [tilespmem:s6], [sflag:$0x5], $0x8, s7, s2, $0xb8;
	[tilespmem:$0x1D4E8] =	vst v63  }
0xa9: {  	_ =	swait.ge @p2 [sflag:s22], $0x3E8  }
0xaa: {  	s7 =	sadd.s32 $0x200, s0;
	[sflag:s22] =	ssyncset.done @p2 $0x0  }
0xab: {  	[sflag:s22] =	ssyncadd.s32 @p2 $0xFFFFFC18  }
0xac: {  	[tilespmem:s21], [sflag:$0x1] =	stream.indirect.gather [hbm4b:s1+s20], $0x40, s7, s20, $0xb8;
	[tilespmem:$0x1D4E8] =	vst v63  }
0xad: {  	_ =	swait.ge [sflag:s30], $0x1F40  }
0xae: {  	s7 =	sadd.s32 $0x5100, s0;
	[sflag:s30] =	ssyncset.done $0x0  }
0xaf: {  	[sflag:s30] =	ssyncadd.s32 $0xFFFFE0C0  }
0xb0: {  	[spmem:s3] =	stream.indirect.scatter.add.f32 [tilespmem:s25], [sflag:$0x5], $0x40, s7, s20, $0xb8;
	[tilespmem:$0x1D4E8] =	vst v63  }
0xb1: {  	_ =	swait.ge [sflag:s16], $0x1F40  }
0xb2: {  	[sflag:s16] =	ssyncset.done $0x0  }
0xb3: {  	[sflag:s16] =	ssyncadd.s32 $0xFFFFE0C0  }
0xb4: {  	[spmem:s4] =	stream.indirect.scatter.add.f32 @p2 [tilespmem:s6], [sflag:$0x5], $0x8, s7, s2, $0xb8;
	[tilespmem:$0x1D4E8] =	vst v63  }
0xb5: {  	_ =	swait.ge @p2 [sflag:s22], $0x3E8  }
0xb6: {  	s7 =	sadd.s32 $0x280, s0;
	[sflag:s22] =	ssyncset.done @p2 $0x0  }
0xb7: {  	[sflag:s22] =	ssyncadd.s32 @p2 $0xFFFFFC18  }
0xb8: {  	[tilespmem:s23], [sflag:$0x2] =	stream.indirect.gather [hbm4b:s1+s20], $0x40, s7, s20, $0xb8;
	[tilespmem:$0x1D4E8] =	vst v63  }
0xb9: {  	_ =	swait.ge [sflag:s31], $0x1F40  }
0xba: {  	s7 =	sadd.s32 $0x5180, s0;
	[sflag:s31] =	ssyncset.done $0x0  }
0xbb: {  	[sflag:s31] =	ssyncadd.s32 $0xFFFFE0C0  }
0xbc: {  	[spmem:s3] =	stream.indirect.scatter.add.f32 [tilespmem:s28], [sflag:$0x5], $0x40, s7, s20, $0xb8;
	[tilespmem:$0x1D4E8] =	vst v63  }
0xbd: {  	_ =	swait.ge [sflag:s16], $0x1F40  }
.Ltmp1:
0xbe: {  	[sflag:s16] =	ssyncset.done $0x0;
	(pc) =	sbr.rel @p3 .LBB2_4-.Ltmp1, $4  }
0xbf: {  	[sflag:s16] =	ssyncadd.s32 $0xFFFFE0C0  }
0xc0: {  	[spmem:s4] =	stream.indirect.scatter.add.f32 @p2 [tilespmem:s6], [sflag:$0x5], $0x8, s7, s2, $0xb8;
	[tilespmem:$0x1D4E8] =	vst v63  }
0xc1: {  	_ =	swait.ge @p2 [sflag:s22], $0x3E8  }
0xc2: {  	s0 =	sadd.s32 $0x300, s0;
	[sflag:s22] =	ssyncset.done @p2 $0x0  }
0xc3: {  	[sflag:s22] =	ssyncadd.s32 @p2 $0xFFFFFC18  }
0xc4: {  	[tilespmem:s25], [sflag:$0x3] =	stream.indirect.gather [hbm4b:s1+s20], $0x40, s0, s20, $0xb8;
	[tilespmem:$0x1D4E8] =	vst v63  }
0xc5: {  	_ =	swait.ge [sflag:s26], $0x1F40  }
0xc6: {  	[sflag:s26] =	ssyncset.done $0x0  }
0xc7: {  	s22 =	simm.s32 $0x9E00;
	[sflag:s26] =	ssyncadd.s32 $0xFFFFE0C0  }
0xc8: {  	[spmem:s3] =	stream.indirect.scatter.add.f32 [tilespmem:s21], [sflag:$0x5], $0x40, s22, s20, $0xb8;
	[tilespmem:$0x1D4E8] =	vst v63  }
0xc9: {  	_ =	swait.ge [sflag:s16], $0x1F40  }
0xca: {  	s2 =	simm.s32 @!p0 $0x4F80;
	[sflag:s16] =	ssyncset.done $0x0  }
0xcb: {  	s6 =	simm.s32 @!p0 $0xFDC0;
	s0 =	simm.s32 @!p0 $0x7D;
	[sflag:s16] =	ssyncadd.s32 $0xFFFFE0C0  }
0xcc: {  	[tilespmem:s6], [sflag:$0x4] =	stream.indirect.gather @!p0 [hbm4b:s1+s0], $0x40, s2, s0, $0xb8;
	[tilespmem:$0x1D4E8] =	vst v63  }
0xcd: {  	s2 =	simm.s32 @!p0 $0x2  }
0xce: {  	_ =	swait.ge @!p0 [sflag:s2], $0x1F40  }
0xcf: {  	[sflag:s2] =	ssyncset.done @!p0 $0x0  }
0xd0: {  	s7 =	simm.s32 @!p0 $0xBF40;
	[sflag:s2] =	ssyncadd.s32 @!p0 $0xFFFFE0C0;
	s2 =	simm.s32 @!p0 $0x9E80  }
0xd1: {  	[spmem:s3] =	stream.indirect.scatter.add.f32 @!p0 [tilespmem:s7], [sflag:$0x5], $0x40, s2, s0, $0xb8;
	[tilespmem:$0x1D4E8] =	vst v63  }
0xd2: {  	s2 =	simm.s32 @!p0 $0x5  }
0xd3: {  	_ =	swait.ge @!p0 [sflag:s2], $0x1F40  }
0xd4: {  	s19 =	simm.s32 @p0 $0x9E00;
	[sflag:s2] =	ssyncset.done @!p0 $0x0  }
0xd5: {  	s22 =	simm.s32 @p0 $0x11D00;
	s7 =	simm.s32 @p0 $0x7D;
	[sflag:s2] =	ssyncadd.s32 @!p0 $0xFFFFE0C0  }
0xd6: {  	[spmem:s4] =	stream.indirect.scatter.add.f32 @p0 [tilespmem:s22], [sflag:$0x5], $0x8, s19, s7, $0xb8;
	[tilespmem:$0x1D4E8] =	vst v63  }
0xd7: {  	s19 =	simm.s32 @p0 $0x5  }
0xd8: {  	_ =	swait.ge @p0 [sflag:s19], $0x3E8  }
0xd9: {  	[sflag:s19] =	ssyncset.done @p0 $0x0  }
0xda: {  	s24 =	simm.s32 @p0 $0x4F80;
	s8 =	simm.s32 @p0 $0xFDC0;
	[sflag:s19] =	ssyncadd.s32 @p0 $0xFFFFFC18  }
0xdb: {  	[tilespmem:s8], [sflag:$0x4] =	stream.indirect.gather @p0 [hbm4b:s1+s7], $0x40, s24, s7, $0xb8;
	[tilespmem:$0x1D4E8] =	vst v63  }
0xdc: {  	s24 =	simm.s32 @p0 $0x2  }
0xdd: {  	_ =	swait.ge @p0 [sflag:s24], $0x1F40  }
0xde: {  	[sflag:s24] =	ssyncset.done @p0 $0x0  }
0xdf: {  	s11 =	simm.s32 @p0 $0xBF40;
	[sflag:s24] =	ssyncadd.s32 @p0 $0xFFFFE0C0;
	s24 =	simm.s32 @p0 $0x9E80  }
0xe0: {  	[spmem:s3] =	stream.indirect.scatter.add.f32 @p0 [tilespmem:s11], [sflag:$0x5], $0x40, s24, s7, $0xb8;
	[tilespmem:$0x1D4E8] =	vst v63  }
0xe1: {  	_ =	swait.ge @p0 [sflag:s19], $0x1F40  }
0xe2: {  	[sflag:s19] =	ssyncset.done @p0 $0x0  }
0xe3: {  	[sflag:s19] =	ssyncadd.s32 @p0 $0xFFFFE0C0  }
0xe4: {  	[spmem:s4] =	stream.indirect.scatter.add.f32 @p0 [tilespmem:s22], [sflag:$0x5], $0x8, s24, s7, $0xb8;
	[tilespmem:$0x1D4E8] =	vst v63  }
0xe5: {  	_ =	swait.ge @p0 [sflag:s19], $0x3E8  }
0xe6: {  	[sflag:s19] =	ssyncset.done @p0 $0x0  }
0xe7: {  	[sflag:s19] =	ssyncadd.s32 @p0 $0xFFFFFC18  }
0xe8: {  	_ =	swait.ge [sflag:s30], $0x1F40  }
0xe9: {  	[sflag:s30] =	ssyncset.done $0x0  }
0xea: {  	s24 =	simm.s32 $0x9F00;
	[sflag:s30] =	ssyncadd.s32 $0xFFFFE0C0  }
0xeb: {  	[spmem:s3] =	stream.indirect.scatter.add.f32 [tilespmem:s25], [sflag:$0x5], $0x40, s24, s20, $0xb8;
	[tilespmem:$0x1D4E8] =	vst v63  }
0xec: {  	_ =	swait.ge [sflag:s16], $0x1F40  }
0xed: {  	[sflag:s16] =	ssyncset.done $0x0  }
0xee: {  	s11 =	simm.s32 @!p0 $0x4;
	[sflag:s16] =	ssyncadd.s32 $0xFFFFE0C0  }
0xef: {  	_ =	swait.ge @!p0 [sflag:s11], $0x1F40  }
0xf0: {  	[sflag:s11] =	ssyncset.done @!p0 $0x0  }
0xf1: {  	[sflag:s11] =	ssyncadd.s32 @!p0 $0xFFFFE0C0;
	s11 =	simm.s32 @!p0 $0x9F80  }
0xf2: {  	[spmem:s3] =	stream.indirect.scatter.add.f32 @!p0 [tilespmem:s6], [sflag:$0x5], $0x40, s11, s0, $0xb8;
	[tilespmem:$0x1D4E8] =	vst v63  }
0xf3: {  	_ =	swait.ge @!p0 [sflag:s2], $0x1F40  }
0xf4: {  	[sflag:s2] =	ssyncset.done @!p0 $0x0  }
0xf5: {  	s0 =	simm.s32 @p0 $0x9F00;
	[sflag:s2] =	ssyncadd.s32 @!p0 $0xFFFFE0C0  }
0xf6: {  	[spmem:s4] =	stream.indirect.scatter.add.f32 @p0 [tilespmem:s22], [sflag:$0x5], $0x8, s0, s7, $0xb8;
	[tilespmem:$0x1D4E8] =	vst v63  }
0xf7: {  	_ =	swait.ge @p0 [sflag:s19], $0x3E8  }
0xf8: {  	[sflag:s19] =	ssyncset.done @p0 $0x0  }
0xf9: {  	s0 =	simm.s32 @p0 $0x4;
	[sflag:s19] =	ssyncadd.s32 @p0 $0xFFFFFC18  }
0xfa: {  	_ =	swait.ge @p0 [sflag:s0], $0x1F40  }
0xfb: {  	[sflag:s0] =	ssyncset.done @p0 $0x0  }
0xfc: {  	[sflag:s0] =	ssyncadd.s32 @p0 $0xFFFFE0C0;
	s0 =	simm.s32 @p0 $0x9F80  }
0xfd: {  	[spmem:s3] =	stream.indirect.scatter.add.f32 @p0 [tilespmem:s8], [sflag:$0x5], $0x40, s0, s7, $0xb8;
	[tilespmem:$0x1D4E8] =	vst v63  }
0xfe: {  	_ =	swait.ge @p0 [sflag:s19], $0x1F40  }
0xff: {  	[sflag:s19] =	ssyncset.done @p0 $0x0  }
0x100: {  	[sflag:s19] =	ssyncadd.s32 @p0 $0xFFFFE0C0  }
0x101: {  	[spmem:s4] =	stream.indirect.scatter.add.f32 @p0 [tilespmem:s22], [sflag:$0x5], $0x8, s0, s7, $0xb8;
	[tilespmem:$0x1D4E8] =	vst v63  }
0x102: {  	_ =	swait.ge @p0 [sflag:s19], $0x3E8  }
0x103: {  	[sflag:s19] =	ssyncset.done @p0 $0x0  }
0x104: {  	[sflag:s19] =	ssyncadd.s32 @p0 $0xFFFFFC18  }
0x105: {  	[bflag:$0x0] =	sbarrier.arrive $0xFFFF  }
0x106: {  	[hbm:s12], [sflag:s10] =	dma.local [spmem:s15], $0x1400  }
0x107: {  	s18 =	sadd.s32 $0x1, s18;
	_ =	swait.ge [sflag:s16], $0x1400  }
0x108: {  	p2 =	sne.s32 s18, s14;
	[sflag:s16] =	ssyncset.done $0x0  }
.Ltmp2:
0x109: {  	[sflag:s16] =	ssyncadd.s32 $0xFFFFEC00;
	(pc) =	sbr.rel @p2 .LBB2_1-.Ltmp2, $4  }
0x10a: {  	[hbm:s13], [sflag:s10] =	dma.local [spmem:s17], $0x280  }
0x10b: {  	_ =	swait.ge [sflag:s16], $0x280  }
0x10c: {  	[sflag:s16] =	ssyncset.done $0x0  }
0x10d: {  	[sflag:s16] =	ssyncadd.s32 $0xFFFFFD80  }
0x10e: {  	_ =	sfence.sel $0x180000  }
0x10f: {  	[bflag:$0x0] =	sbarrier.arrive $0xFFFF  }
0x110: {  	_ =	strace $0x90000047  }
0x111: {  	s0 =	stileid.u32;
	[bflag:$0x2] =	sbarrier.arrive $0xFFFF  }
0x112: {  	p0 =	sne.s32 s0, $0x0;
	s0 =	rddreg [dreg:$0x5]  }
0x113: {  	s0 =	sadd.s32 @!p0 $0x100000, s0  }
0x114: {  	[sflag:s0] =	ssyncadd.tile.s32 @!p0 $0x1;
	_ =	shalt  }
.Lfunc_end2:
_tile_overlayer_lowered:
.L_overlay_start_2:
0x115: {  	(tag) =	ssettag $0x2  }
0x116: {  	s0 =	rddreg [dreg:$0x0];
	s2 =	stileid.u32  }
0x117: {  	s1 =	rddreg [dreg:$0x1];
	p0 =	sne.s32 s2, $0x0  }
0x118: {  	s3 =	rddreg [dreg:$0x2];
	[bflag:$0x3] =	sbarrier.arrive $0xFFFF;
	s2 =	simm.s32 @!p0 $0x1C05  }
0x119: {  	[timem:s3], [sflag:s2] =	dma.local @!p0 [hbm:s0], s1  }
0x11a: {  	s0 =	simm.s32 @!p0 $0x5  }
0x11b: {  	_ =	swait.ge @!p0 [sflag:s0], s1  }
0x11c: {  	s1 =	ssub.s32 @!p0 $0x0, s1;
	[sflag:s0] =	ssyncset.done @!p0 $0x0  }
0x11d: {  	[sflag:s0] =	ssyncadd.s32 @!p0 s1  }
0x11e: {  	[bflag:$0x3] =	sbarrier.arrive $0xFFFF  }
0x11f: {  	_ =	shalt  }

</sc_bundles>
